<compile_context>
chip_gen: v7x
topology: tpu7x:2x2x1
jax: 0.10.2.dev20260603
libtpu: 0.0.44.dev20260713+nightly
codegen_flags: <defaults>
</compile_context>

<pallas_src>
import functools

import jax
import jax.numpy as jnp
from jax import lax
from jax.experimental import pallas as pl
from jax.experimental.pallas import tpu as pltpu
from jax.experimental.pallas import tpu_sc as plsc

_HI = jax.lax.Precision.HIGHEST


def _top2_kernel(x_ref, cb_ref, i1_ref, i2_ref):
    x = x_ref[...]
    cb = cb_ref[...]
    bb = x.shape[0]
    k = cb.shape[0]

    cn = jnp.sum(cb * cb, axis=1, keepdims=True)
    cb_aug = jnp.concatenate([-2.0 * cb, cn], axis=1)
    x_aug = jnp.concatenate([x, jnp.ones((bb, 1), jnp.float32)], axis=1)
    d2 = jax.lax.dot_general(x_aug, cb_aug, (((1,), (1,)), ((), ())),
                             precision=_HI,
                             preferred_element_type=jnp.float32)

    iota = jax.lax.broadcasted_iota(jnp.int32, d2.shape, 1)
    m1 = jnp.min(d2, axis=1, keepdims=True)
    i1 = jnp.min(jnp.where(d2 == m1, iota, k), axis=1, keepdims=True)
    d2b = jnp.where(iota == i1, jnp.inf, d2)
    m2 = jnp.min(d2b, axis=1, keepdims=True)
    i2 = jnp.min(jnp.where(d2b == m2, iota, k), axis=1, keepdims=True)
    i1_ref[...] = i1[:, 0]
    i2_ref[...] = i2[:, 0]


def _refine_kernel(x_ref, c1_ref, c2_ref, i1_ref, i2_ref,
                   quant_ref, idx_ref, loss_ref):
    x = x_ref[...]
    d = x.shape[1]
    c1 = c1_ref[...][:, :d]
    c2 = c2_ref[...][:, :d]
    i1 = i1_ref[...][:, None]
    i2 = i2_ref[...][:, None]
    r1 = x - c1
    r2 = x - c2
    e1 = jnp.sum(r1 * r1, axis=1, keepdims=True)
    e2 = jnp.sum(r2 * r2, axis=1, keepdims=True)
    f1 = jnp.sqrt(e1)
    f2 = jnp.sqrt(e2)
    pick1 = (f1 < f2) | ((f1 == f2) & (i1 < i2))
    quant = jnp.where(pick1, c1, c2)
    diff = quant - x
    quant_ref[...] = x + diff
    idx_ref[...] = jnp.where(pick1, i1, i2)[:, 0]

    @pl.when(pl.program_id(0) == 0)
    def _init():
        loss_ref[...] = jnp.zeros((1, 1), jnp.float32)

    loss_ref[...] += jnp.sum(diff * diff, keepdims=True)


def _make_sc_gather(b, dp, n_workers, chunk):
    b_per_w = b // n_workers
    n_chunks = b_per_w // chunk
    mesh = plsc.VectorSubcoreMesh(core_axis_name="c", subcore_axis_name="s")

    @functools.partial(
        pl.kernel, mesh=mesh,
        out_type=[
            jax.ShapeDtypeStruct((b, dp), jnp.float32),
            jax.ShapeDtypeStruct((b, dp), jnp.float32),
        ],
        scratch_types=[
            pltpu.VMEM((chunk,), jnp.int32),
            pltpu.VMEM((chunk,), jnp.int32),
            pltpu.VMEM((chunk,), jnp.int32),
            pltpu.VMEM((chunk,), jnp.int32),
            pltpu.VMEM((chunk, dp), jnp.float32),
            pltpu.VMEM((chunk, dp), jnp.float32),
            pltpu.VMEM((chunk, dp), jnp.float32),
            pltpu.VMEM((chunk, dp), jnp.float32),
            pltpu.SemaphoreType.DMA,
            pltpu.SemaphoreType.DMA,
            pltpu.SemaphoreType.DMA,
            pltpu.SemaphoreType.DMA,
        ],
    )
    def sc_gather(cb_hbm, i1_hbm, i2_hbm, c1_hbm, c2_hbm,
                  ia0, ia1, ib0, ib1, ra0, ra1, rb0, rb1,
                  gs0, gs1, ws0, ws1):
        idx1 = (ia0, ia1)
        idx2 = (ib0, ib1)
        rows1 = (ra0, ra1)
        rows2 = (rb0, rb1)
        gsem = (gs0, gs1)
        wsem = (ws0, ws1)
        wid = lax.axis_index("s") * 2 + lax.axis_index("c")
        base = wid * b_per_w
        pending = [None, None]
        for cidx in range(n_chunks):
            p = cidx % 2
            off = base + cidx * chunk
            if pending[p] is not None:
                for w in pending[p]:
                    w.wait()
            pltpu.sync_copy(i1_hbm.at[pl.ds(off, chunk)], idx1[p])
            pltpu.sync_copy(i2_hbm.at[pl.ds(off, chunk)], idx2[p])
            g1 = pltpu.async_copy(cb_hbm.at[idx1[p]], rows1[p], gsem[p])
            g2 = pltpu.async_copy(cb_hbm.at[idx2[p]], rows2[p], gsem[p])
            g1.wait()
            g2.wait()
            w1 = pltpu.async_copy(rows1[p], c1_hbm.at[pl.ds(off, chunk)],
                                  wsem[p])
            w2 = pltpu.async_copy(rows2[p], c2_hbm.at[pl.ds(off, chunk)],
                                  wsem[p])
            pending[p] = (w1, w2)
        for pend in pending:
            if pend is not None:
                for w in pend:
                    w.wait()

    return sc_gather


def _top2(x_slice, codebook, bb):
    b, d = x_slice.shape
    k = codebook.shape[0]
    return pl.pallas_call(
        _top2_kernel,
        grid=(b // bb,),
        in_specs=[
            pl.BlockSpec((bb, d), lambda i: (i, 0)),
            pl.BlockSpec((k, d), lambda i: (0, 0)),
        ],
        out_specs=[
            pl.BlockSpec((bb,), lambda i: (i,)),
            pl.BlockSpec((bb,), lambda i: (i,)),
        ],
        out_shape=[
            jax.ShapeDtypeStruct((b,), jnp.int32),
            jax.ShapeDtypeStruct((b,), jnp.int32),
        ],
    )(x_slice, codebook)


def _refine(x_slice, c1, c2, i1, i2, bb2):
    b, d = x_slice.shape
    return pl.pallas_call(
        _refine_kernel,
        grid=(b // bb2,),
        in_specs=[
            pl.BlockSpec((bb2, d), lambda i: (i, 0)),
            pl.BlockSpec((bb2, 128), lambda i: (i, 0)),
            pl.BlockSpec((bb2, 128), lambda i: (i, 0)),
            pl.BlockSpec((bb2,), lambda i: (i,)),
            pl.BlockSpec((bb2,), lambda i: (i,)),
        ],
        out_specs=[
            pl.BlockSpec((bb2, d), lambda i: (i, 0)),
            pl.BlockSpec((bb2,), lambda i: (i,)),
            pl.BlockSpec((1, 1), lambda i: (0, 0)),
        ],
        out_shape=[
            jax.ShapeDtypeStruct((b, d), jnp.float32),
            jax.ShapeDtypeStruct((b,), jnp.int32),
            jax.ShapeDtypeStruct((1, 1), jnp.float32),
        ],
    )(x_slice, c1, c2, i1, i2)


def kernel(x, codebook):
    b, d = x.shape
    n_slices = 2
    bs = b // n_slices
    bb = 1024
    bb2 = 2048
    dp = 128
    cb_pad = jnp.pad(codebook, ((0, 0), (0, dp - d)))
    sc_gather = _make_sc_gather(bs, dp, 32, 128)

    xs_l = [lax.slice_in_dim(x, s * bs, (s + 1) * bs, axis=0)
            for s in range(n_slices)]
    tops = [_top2(xs, codebook, bb) for xs in xs_l]
    rows = [sc_gather(cb_pad, i1, i2) for (i1, i2) in tops]
    quants, idxs, losses = [], [], []
    for xs, (i1, i2), (c1, c2) in zip(xs_l, tops, rows):
        quant_s, idx_s, loss_s = _refine(xs, c1, c2, i1, i2, bb2)
        quants.append(quant_s)
        idxs.append(idx_s)
        losses.append(loss_s[0, 0])

    quant = jnp.concatenate(quants, axis=0)
    idx = jnp.concatenate(idxs, axis=0)
    loss = sum(losses) / jnp.float32(b * d)
    return (quant, loss, loss, idx)

# --- scband reference (transcript-rebuilt; emitter-appended) ---
"""Pipeline reference for scband-quantizer-10350871183376 (READ-ONLY COPY).

The authoritative reference and input builder live on the scoring server;
editing this copy changes nothing except your own understanding.
"""

import jax, jax.numpy as jnp
import numpy as np

CODEBOOK_SIZE = 1024
LATENT_DIM = 64
B = 16384


def setup_inputs(seed: int = 0) -> dict:
    key = jax.random.key(seed)
    k1, k2 = jax.random.split(key)
    x = jax.random.normal(k1, (B, LATENT_DIM), dtype=jnp.float32)
    # nn.Embedding default init: N(0, 1)
    codebook = jax.random.normal(k2, (CODEBOOK_SIZE, LATENT_DIM), dtype=jnp.float32)
    return {"x": x, "codebook": codebook}


def reference(x, codebook):
    # torch.cdist(x.unsqueeze(1), W[None]) -> euclidean distances [B, 1, K]
    diff = x[:, None, :] - codebook[None, :, :]
    dist = jnp.sqrt(jnp.sum(diff * diff, axis=-1))  # [B, K]
    min_encoding_indices = jnp.argmin(dist, axis=-1)  # [B]
    quant = jnp.take(codebook, min_encoding_indices, axis=0)  # embedding lookup [B, D]
    commitment_loss = jnp.mean((jax.lax.stop_gradient(quant) - x) ** 2)
    codebook_loss = jnp.mean((quant - jax.lax.stop_gradient(x)) ** 2)
    # straight-through estimator
    quant_out = x + jax.lax.stop_gradient(quant - x)
    return (quant_out, codebook_loss, commitment_loss, min_encoding_indices)

if __name__ == "__main__":
    import jax
    _d = setup_inputs()
    print(jax.jit(kernel)(*tuple(_d.values())))

</pallas_src>

<mosaic_0001>
#map = affine_map<(d0, d1) -> (0, 0)>
#map1 = affine_map<(d0, d1) -> (0)>
module attributes {stable_mosaic.version = 14 : i64} {
  func.func @sc_gather(%arg0: i32, %arg1: i32, %arg2: memref<1024x128xf32, #tpu.memory_space<hbm>>, %arg3: memref<8192xi32, #tpu.memory_space<hbm>>, %arg4: memref<8192xi32, #tpu.memory_space<hbm>>, %arg5: memref<8192x128xf32, #tpu.memory_space<hbm>>, %arg6: memref<8192x128xf32, #tpu.memory_space<hbm>>, %arg7: memref<128xi32, #tpu.memory_space<vmem>>, %arg8: memref<128xi32, #tpu.memory_space<vmem>>, %arg9: memref<128xi32, #tpu.memory_space<vmem>>, %arg10: memref<128xi32, #tpu.memory_space<vmem>>, %arg11: memref<128x128xf32, #tpu.memory_space<vmem>>, %arg12: memref<128x128xf32, #tpu.memory_space<vmem>>, %arg13: memref<128x128xf32, #tpu.memory_space<vmem>>, %arg14: memref<128x128xf32, #tpu.memory_space<vmem>>, %arg15: memref<!tpu.dma_semaphore, #tpu.memory_space<semaphore_mem>>, %arg16: memref<!tpu.dma_semaphore, #tpu.memory_space<semaphore_mem>>, %arg17: memref<!tpu.dma_semaphore, #tpu.memory_space<semaphore_mem>>, %arg18: memref<!tpu.dma_semaphore, #tpu.memory_space<semaphore_mem>>) attributes {dimension_semantics = [#tpu.dimension_semantics<core_parallel>, #tpu.dimension_semantics<subcore_parallel>], iteration_bounds = array<i64: 2, 16>, scalar_prefetch = 0 : i64, scratch_operands = 12 : i64, tpu.core_type = #tpu.core_type<sc_vector_subcore>, window_params = [{transform_indices = #map}, {transform_indices = #map1}, {transform_indices = #map1}, {transform_indices = #map}, {transform_indices = #map}]} {
    %mul3A = arith.constant 2 : i32
    %mul3A_0 = arith.muli %arg1, %mul3A : i32
    %add3A = arith.addi %mul3A_0, %arg0 : i32
    %mul3A_1 = arith.constant 256 : i32
    %mul3A_2 = arith.muli %add3A, %mul3A_1 : i32
    %add3A_3 = arith.constant 0 : i32
    %add3A_4 = arith.addi %mul3A_2, %add3A_3 : i32
    "tpu.region"() ({
      %run_scoped3A = tpu.sem_alloc : memref<!tpu.dma_semaphore, #tpu.memory_space<semaphore_mem>>
      %dma_start3A_61 = tpu.memref_slice %arg3[%add3A_4] : memref<8192xi32, #tpu.memory_space<hbm>> -> memref<128xi32, #tpu.memory_space<hbm>>
      %dma_start3A_62 = tpu.memref_slice %arg3[%add3A_4] : memref<8192xi32, #tpu.memory_space<hbm>> -> memref<128xi32, #tpu.memory_space<hbm>>
      tpu.enqueue_dma source(%dma_start3A_62 : memref<128xi32, #tpu.memory_space<hbm>>) target(%arg7 : memref<128xi32, #tpu.memory_space<vmem>>) target_semaphore(%run_scoped3A : memref<!tpu.dma_semaphore, #tpu.memory_space<semaphore_mem>>)
      %dma_wait3A_63 = tpu.memref_slice %arg3[%add3A_4] : memref<8192xi32, #tpu.memory_space<hbm>> -> memref<128xi32, #tpu.memory_space<hbm>>
      %dma_wait3A_64 = tpu.memref_slice %arg3[%add3A_4] : memref<8192xi32, #tpu.memory_space<hbm>> -> memref<128xi32, #tpu.memory_space<hbm>>
      tpu.wait_dma2 semaphore(%run_scoped3A : memref<!tpu.dma_semaphore, #tpu.memory_space<semaphore_mem>>) src(%dma_wait3A_64 : memref<128xi32, #tpu.memory_space<hbm>>) dst(%arg7 : memref<128xi32, #tpu.memory_space<vmem>>)
      tpu.yield
    }) : () -> ()
    "tpu.region"() ({
      %run_scoped3A = tpu.sem_alloc : memref<!tpu.dma_semaphore, #tpu.memory_space<semaphore_mem>>
      %dma_start3A_61 = tpu.memref_slice %arg4[%add3A_4] : memref<8192xi32, #tpu.memory_space<hbm>> -> memref<128xi32, #tpu.memory_space<hbm>>
      %dma_start3A_62 = tpu.memref_slice %arg4[%add3A_4] : memref<8192xi32, #tpu.memory_space<hbm>> -> memref<128xi32, #tpu.memory_space<hbm>>
      tpu.enqueue_dma source(%dma_start3A_62 : memref<128xi32, #tpu.memory_space<hbm>>) target(%arg9 : memref<128xi32, #tpu.memory_space<vmem>>) target_semaphore(%run_scoped3A : memref<!tpu.dma_semaphore, #tpu.memory_space<semaphore_mem>>)
      %dma_wait3A_63 = tpu.memref_slice %arg4[%add3A_4] : memref<8192xi32, #tpu.memory_space<hbm>> -> memref<128xi32, #tpu.memory_space<hbm>>
      %dma_wait3A_64 = tpu.memref_slice %arg4[%add3A_4] : memref<8192xi32, #tpu.memory_space<hbm>> -> memref<128xi32, #tpu.memory_space<hbm>>
      tpu.wait_dma2 semaphore(%run_scoped3A : memref<!tpu.dma_semaphore, #tpu.memory_space<semaphore_mem>>) src(%dma_wait3A_64 : memref<128xi32, #tpu.memory_space<hbm>>) dst(%arg9 : memref<128xi32, #tpu.memory_space<vmem>>)
      tpu.yield
    }) : () -> ()
    %dma_start3A = arith.constant 0 : i32
    %dma_start3A_5 = arith.constant 0 : i32
    %dma_start3A_6 = tpu.memref_slice %arg2[%dma_start3A, %dma_start3A_5] : memref<1024x128xf32, #tpu.memory_space<hbm>> -> memref<1024x128xf32, #tpu.memory_space<hbm>>
    tpu.enqueue_indirect_dma source(%dma_start3A_6 : memref<1024x128xf32, #tpu.memory_space<hbm>>) target(%arg11 : memref<128x128xf32, #tpu.memory_space<vmem>>) offsets(%arg7 : memref<128xi32, #tpu.memory_space<vmem>>) semaphore(%arg15 : memref<!tpu.dma_semaphore, #tpu.memory_space<semaphore_mem>>)
    %dma_start3A_7 = arith.constant 0 : i32
    %dma_start3A_8 = arith.constant 0 : i32
    %dma_start3A_9 = tpu.memref_slice %arg2[%dma_start3A_7, %dma_start3A_8] : memref<1024x128xf32, #tpu.memory_space<hbm>> -> memref<1024x128xf32, #tpu.memory_space<hbm>>
    tpu.enqueue_indirect_dma source(%dma_start3A_9 : memref<1024x128xf32, #tpu.memory_space<hbm>>) target(%arg13 : memref<128x128xf32, #tpu.memory_space<vmem>>) offsets(%arg9 : memref<128xi32, #tpu.memory_space<vmem>>) semaphore(%arg15 : memref<!tpu.dma_semaphore, #tpu.memory_space<semaphore_mem>>)
    %dma_wait3A = arith.constant 0 : i32
    %dma_wait3A_10 = arith.constant 0 : i32
    %dma_wait3A_11 = tpu.memref_slice %arg2[%dma_wait3A, %dma_wait3A_10] : memref<1024x128xf32, #tpu.memory_space<hbm>> -> memref<1024x128xf32, #tpu.memory_space<hbm>>
    tpu.wait_indirect_dma semaphore(%arg15 : memref<!tpu.dma_semaphore, #tpu.memory_space<semaphore_mem>>) src(%dma_wait3A_11 : memref<1024x128xf32, #tpu.memory_space<hbm>>) dst(%arg11 : memref<128x128xf32, #tpu.memory_space<vmem>>)
    %dma_wait3A_12 = arith.constant 0 : i32
    %dma_wait3A_13 = arith.constant 0 : i32
    %dma_wait3A_14 = tpu.memref_slice %arg2[%dma_wait3A_12, %dma_wait3A_13] : memref<1024x128xf32, #tpu.memory_space<hbm>> -> memref<1024x128xf32, #tpu.memory_space<hbm>>
    tpu.wait_indirect_dma semaphore(%arg15 : memref<!tpu.dma_semaphore, #tpu.memory_space<semaphore_mem>>) src(%dma_wait3A_14 : memref<1024x128xf32, #tpu.memory_space<hbm>>) dst(%arg13 : memref<128x128xf32, #tpu.memory_space<vmem>>)
    %dma_start3A_15 = arith.constant 0 : i32
    %dma_start3A_16 = tpu.memref_slice %arg5[%add3A_4, %dma_start3A_15] : memref<8192x128xf32, #tpu.memory_space<hbm>> -> memref<128x128xf32, #tpu.memory_space<hbm>>
    %dma_start3A_17 = arith.constant 0 : i32
    %dma_start3A_18 = tpu.memref_slice %arg5[%add3A_4, %dma_start3A_17] : memref<8192x128xf32, #tpu.memory_space<hbm>> -> memref<128x128xf32, #tpu.memory_space<hbm>>
    tpu.enqueue_dma source(%arg11 : memref<128x128xf32, #tpu.memory_space<vmem>>) target(%dma_start3A_18 : memref<128x128xf32, #tpu.memory_space<hbm>>) target_semaphore(%arg17 : memref<!tpu.dma_semaphore, #tpu.memory_space<semaphore_mem>>)
    %dma_start3A_19 = arith.constant 0 : i32
    %dma_start3A_20 = tpu.memref_slice %arg6[%add3A_4, %dma_start3A_19] : memref<8192x128xf32, #tpu.memory_space<hbm>> -> memref<128x128xf32, #tpu.memory_space<hbm>>
    %dma_start3A_21 = arith.constant 0 : i32
    %dma_start3A_22 = tpu.memref_slice %arg6[%add3A_4, %dma_start3A_21] : memref<8192x128xf32, #tpu.memory_space<hbm>> -> memref<128x128xf32, #tpu.memory_space<hbm>>
    tpu.enqueue_dma source(%arg13 : memref<128x128xf32, #tpu.memory_space<vmem>>) target(%dma_start3A_22 : memref<128x128xf32, #tpu.memory_space<hbm>>) target_semaphore(%arg17 : memref<!tpu.dma_semaphore, #tpu.memory_space<semaphore_mem>>)
    %add3A_23 = arith.constant 128 : i32
    %add3A_24 = arith.addi %mul3A_2, %add3A_23 : i32
    "tpu.region"() ({
      %run_scoped3A = tpu.sem_alloc : memref<!tpu.dma_semaphore, #tpu.memory_space<semaphore_mem>>
      %dma_start3A_61 = tpu.memref_slice %arg3[%add3A_24] : memref<8192xi32, #tpu.memory_space<hbm>> -> memref<128xi32, #tpu.memory_space<hbm>>
      %dma_start3A_62 = tpu.memref_slice %arg3[%add3A_24] : memref<8192xi32, #tpu.memory_space<hbm>> -> memref<128xi32, #tpu.memory_space<hbm>>
      tpu.enqueue_dma source(%dma_start3A_62 : memref<128xi32, #tpu.memory_space<hbm>>) target(%arg8 : memref<128xi32, #tpu.memory_space<vmem>>) target_semaphore(%run_scoped3A : memref<!tpu.dma_semaphore, #tpu.memory_space<semaphore_mem>>)
      %dma_wait3A_63 = tpu.memref_slice %arg3[%add3A_24] : memref<8192xi32, #tpu.memory_space<hbm>> -> memref<128xi32, #tpu.memory_space<hbm>>
      %dma_wait3A_64 = tpu.memref_slice %arg3[%add3A_24] : memref<8192xi32, #tpu.memory_space<hbm>> -> memref<128xi32, #tpu.memory_space<hbm>>
      tpu.wait_dma2 semaphore(%run_scoped3A : memref<!tpu.dma_semaphore, #tpu.memory_space<semaphore_mem>>) src(%dma_wait3A_64 : memref<128xi32, #tpu.memory_space<hbm>>) dst(%arg8 : memref<128xi32, #tpu.memory_space<vmem>>)
      tpu.yield
    }) : () -> ()
    "tpu.region"() ({
      %run_scoped3A = tpu.sem_alloc : memref<!tpu.dma_semaphore, #tpu.memory_space<semaphore_mem>>
      %dma_start3A_61 = tpu.memref_slice %arg4[%add3A_24] : memref<8192xi32, #tpu.memory_space<hbm>> -> memref<128xi32, #tpu.memory_space<hbm>>
      %dma_start3A_62 = tpu.memref_slice %arg4[%add3A_24] : memref<8192xi32, #tpu.memory_space<hbm>> -> memref<128xi32, #tpu.memory_space<hbm>>
      tpu.enqueue_dma source(%dma_start3A_62 : memref<128xi32, #tpu.memory_space<hbm>>) target(%arg10 : memref<128xi32, #tpu.memory_space<vmem>>) target_semaphore(%run_scoped3A : memref<!tpu.dma_semaphore, #tpu.memory_space<semaphore_mem>>)
      %dma_wait3A_63 = tpu.memref_slice %arg4[%add3A_24] : memref<8192xi32, #tpu.memory_space<hbm>> -> memref<128xi32, #tpu.memory_space<hbm>>
      %dma_wait3A_64 = tpu.memref_slice %arg4[%add3A_24] : memref<8192xi32, #tpu.memory_space<hbm>> -> memref<128xi32, #tpu.memory_space<hbm>>
      tpu.wait_dma2 semaphore(%run_scoped3A : memref<!tpu.dma_semaphore, #tpu.memory_space<semaphore_mem>>) src(%dma_wait3A_64 : memref<128xi32, #tpu.memory_space<hbm>>) dst(%arg10 : memref<128xi32, #tpu.memory_space<vmem>>)
      tpu.yield
    }) : () -> ()
    %dma_start3A_25 = arith.constant 0 : i32
    %dma_start3A_26 = arith.constant 0 : i32
    %dma_start3A_27 = tpu.memref_slice %arg2[%dma_start3A_25, %dma_start3A_26] : memref<1024x128xf32, #tpu.memory_space<hbm>> -> memref<1024x128xf32, #tpu.memory_space<hbm>>
    tpu.enqueue_indirect_dma source(%dma_start3A_27 : memref<1024x128xf32, #tpu.memory_space<hbm>>) target(%arg12 : memref<128x128xf32, #tpu.memory_space<vmem>>) offsets(%arg8 : memref<128xi32, #tpu.memory_space<vmem>>) semaphore(%arg16 : memref<!tpu.dma_semaphore, #tpu.memory_space<semaphore_mem>>)
    %dma_start3A_28 = arith.constant 0 : i32
    %dma_start3A_29 = arith.constant 0 : i32
    %dma_start3A_30 = tpu.memref_slice %arg2[%dma_start3A_28, %dma_start3A_29] : memref<1024x128xf32, #tpu.memory_space<hbm>> -> memref<1024x128xf32, #tpu.memory_space<hbm>>
    tpu.enqueue_indirect_dma source(%dma_start3A_30 : memref<1024x128xf32, #tpu.memory_space<hbm>>) target(%arg14 : memref<128x128xf32, #tpu.memory_space<vmem>>) offsets(%arg10 : memref<128xi32, #tpu.memory_space<vmem>>) semaphore(%arg16 : memref<!tpu.dma_semaphore, #tpu.memory_space<semaphore_mem>>)
    %dma_wait3A_31 = arith.constant 0 : i32
    %dma_wait3A_32 = arith.constant 0 : i32
    %dma_wait3A_33 = tpu.memref_slice %arg2[%dma_wait3A_31, %dma_wait3A_32] : memref<1024x128xf32, #tpu.memory_space<hbm>> -> memref<1024x128xf32, #tpu.memory_space<hbm>>
    tpu.wait_indirect_dma semaphore(%arg16 : memref<!tpu.dma_semaphore, #tpu.memory_space<semaphore_mem>>) src(%dma_wait3A_33 : memref<1024x128xf32, #tpu.memory_space<hbm>>) dst(%arg12 : memref<128x128xf32, #tpu.memory_space<vmem>>)
    %dma_wait3A_34 = arith.constant 0 : i32
    %dma_wait3A_35 = arith.constant 0 : i32
    %dma_wait3A_36 = tpu.memref_slice %arg2[%dma_wait3A_34, %dma_wait3A_35] : memref<1024x128xf32, #tpu.memory_space<hbm>> -> memref<1024x128xf32, #tpu.memory_space<hbm>>
    tpu.wait_indirect_dma semaphore(%arg16 : memref<!tpu.dma_semaphore, #tpu.memory_space<semaphore_mem>>) src(%dma_wait3A_36 : memref<1024x128xf32, #tpu.memory_space<hbm>>) dst(%arg14 : memref<128x128xf32, #tpu.memory_space<vmem>>)
    %dma_start3A_37 = arith.constant 0 : i32
    %dma_start3A_38 = tpu.memref_slice %arg5[%add3A_24, %dma_start3A_37] : memref<8192x128xf32, #tpu.memory_space<hbm>> -> memref<128x128xf32, #tpu.memory_space<hbm>>
    %dma_start3A_39 = arith.constant 0 : i32
    %dma_start3A_40 = tpu.memref_slice %arg5[%add3A_24, %dma_start3A_39] : memref<8192x128xf32, #tpu.memory_space<hbm>> -> memref<128x128xf32, #tpu.memory_space<hbm>>
    tpu.enqueue_dma source(%arg12 : memref<128x128xf32, #tpu.memory_space<vmem>>) target(%dma_start3A_40 : memref<128x128xf32, #tpu.memory_space<hbm>>) target_semaphore(%arg18 : memref<!tpu.dma_semaphore, #tpu.memory_space<semaphore_mem>>)
    %dma_start3A_41 = arith.constant 0 : i32
    %dma_start3A_42 = tpu.memref_slice %arg6[%add3A_24, %dma_start3A_41] : memref<8192x128xf32, #tpu.memory_space<hbm>> -> memref<128x128xf32, #tpu.memory_space<hbm>>
    %dma_start3A_43 = arith.constant 0 : i32
    %dma_start3A_44 = tpu.memref_slice %arg6[%add3A_24, %dma_start3A_43] : memref<8192x128xf32, #tpu.memory_space<hbm>> -> memref<128x128xf32, #tpu.memory_space<hbm>>
    tpu.enqueue_dma source(%arg14 : memref<128x128xf32, #tpu.memory_space<vmem>>) target(%dma_start3A_44 : memref<128x128xf32, #tpu.memory_space<hbm>>) target_semaphore(%arg18 : memref<!tpu.dma_semaphore, #tpu.memory_space<semaphore_mem>>)
    %dma_wait3A_45 = arith.constant 0 : i32
    %dma_wait3A_46 = tpu.memref_slice %arg5[%add3A_4, %dma_wait3A_45] : memref<8192x128xf32, #tpu.memory_space<hbm>> -> memref<128x128xf32, #tpu.memory_space<hbm>>
    %dma_wait3A_47 = arith.constant 0 : i32
    %dma_wait3A_48 = tpu.memref_slice %arg5[%add3A_4, %dma_wait3A_47] : memref<8192x128xf32, #tpu.memory_space<hbm>> -> memref<128x128xf32, #tpu.memory_space<hbm>>
    tpu.wait_dma2 semaphore(%arg17 : memref<!tpu.dma_semaphore, #tpu.memory_space<semaphore_mem>>) src(%arg11 : memref<128x128xf32, #tpu.memory_space<vmem>>) dst(%dma_wait3A_48 : memref<128x128xf32, #tpu.memory_space<hbm>>)
    %dma_wait3A_49 = arith.constant 0 : i32
    %dma_wait3A_50 = tpu.memref_slice %arg6[%add3A_4, %dma_wait3A_49] : memref<8192x128xf32, #tpu.memory_space<hbm>> -> memref<128x128xf32, #tpu.memory_space<hbm>>
    %dma_wait3A_51 = arith.constant 0 : i32
    %dma_wait3A_52 = tpu.memref_slice %arg6[%add3A_4, %dma_wait3A_51] : memref<8192x128xf32, #tpu.memory_space<hbm>> -> memref<128x128xf32, #tpu.memory_space<hbm>>
    tpu.wait_dma2 semaphore(%arg17 : memref<!tpu.dma_semaphore, #tpu.memory_space<semaphore_mem>>) src(%arg13 : memref<128x128xf32, #tpu.memory_space<vmem>>) dst(%dma_wait3A_52 : memref<128x128xf32, #tpu.memory_space<hbm>>)
    %dma_wait3A_53 = arith.constant 0 : i32
    %dma_wait3A_54 = tpu.memref_slice %arg5[%add3A_24, %dma_wait3A_53] : memref<8192x128xf32, #tpu.memory_space<hbm>> -> memref<128x128xf32, #tpu.memory_space<hbm>>
    %dma_wait3A_55 = arith.constant 0 : i32
    %dma_wait3A_56 = tpu.memref_slice %arg5[%add3A_24, %dma_wait3A_55] : memref<8192x128xf32, #tpu.memory_space<hbm>> -> memref<128x128xf32, #tpu.memory_space<hbm>>
    tpu.wait_dma2 semaphore(%arg18 : memref<!tpu.dma_semaphore, #tpu.memory_space<semaphore_mem>>) src(%arg12 : memref<128x128xf32, #tpu.memory_space<vmem>>) dst(%dma_wait3A_56 : memref<128x128xf32, #tpu.memory_space<hbm>>)
    %dma_wait3A_57 = arith.constant 0 : i32
    %dma_wait3A_58 = tpu.memref_slice %arg6[%add3A_24, %dma_wait3A_57] : memref<8192x128xf32, #tpu.memory_space<hbm>> -> memref<128x128xf32, #tpu.memory_space<hbm>>
    %dma_wait3A_59 = arith.constant 0 : i32
    %dma_wait3A_60 = tpu.memref_slice %arg6[%add3A_24, %dma_wait3A_59] : memref<8192x128xf32, #tpu.memory_space<hbm>> -> memref<128x128xf32, #tpu.memory_space<hbm>>
    tpu.wait_dma2 semaphore(%arg18 : memref<!tpu.dma_semaphore, #tpu.memory_space<semaphore_mem>>) src(%arg14 : memref<128x128xf32, #tpu.memory_space<vmem>>) dst(%dma_wait3A_60 : memref<128x128xf32, #tpu.memory_space<hbm>>)
    return
  }
}

#map = affine_map<(d0, d1) -> (0, 0)>
#map1 = affine_map<(d0, d1) -> (0)>
module attributes {stable_mosaic.version = 14 : i64} {
  func.func @sc_gather(%arg0: i32, %arg1: i32, %arg2: memref<1024x128xf32, #tpu.memory_space<hbm>>, %arg3: memref<8192xi32, #tpu.memory_space<hbm>>, %arg4: memref<8192xi32, #tpu.memory_space<hbm>>, %arg5: memref<8192x128xf32, #tpu.memory_space<hbm>>, %arg6: memref<8192x128xf32, #tpu.memory_space<hbm>>, %arg7: memref<128xi32, #tpu.memory_space<vmem>>, %arg8: memref<128xi32, #tpu.memory_space<vmem>>, %arg9: memref<128xi32, #tpu.memory_space<vmem>>, %arg10: memref<128xi32, #tpu.memory_space<vmem>>, %arg11: memref<128x128xf32, #tpu.memory_space<vmem>>, %arg12: memref<128x128xf32, #tpu.memory_space<vmem>>, %arg13: memref<128x128xf32, #tpu.memory_space<vmem>>, %arg14: memref<128x128xf32, #tpu.memory_space<vmem>>, %arg15: memref<!tpu.dma_semaphore, #tpu.memory_space<semaphore_mem>>, %arg16: memref<!tpu.dma_semaphore, #tpu.memory_space<semaphore_mem>>, %arg17: memref<!tpu.dma_semaphore, #tpu.memory_space<semaphore_mem>>, %arg18: memref<!tpu.dma_semaphore, #tpu.memory_space<semaphore_mem>>) attributes {dimension_semantics = [#tpu.dimension_semantics<core_parallel>, #tpu.dimension_semantics<subcore_parallel>], iteration_bounds = array<i64: 2, 16>, scalar_prefetch = 0 : i64, scratch_operands = 12 : i64, tpu.core_type = #tpu.core_type<sc_vector_subcore>, window_params = [{transform_indices = #map}, {transform_indices = #map1}, {transform_indices = #map1}, {transform_indices = #map}, {transform_indices = #map}]} {
    %mul3A = arith.constant 2 : i32
    %mul3A_0 = arith.muli %arg1, %mul3A : i32
    %add3A = arith.addi %mul3A_0, %arg0 : i32
    %mul3A_1 = arith.constant 256 : i32
    %mul3A_2 = arith.muli %add3A, %mul3A_1 : i32
    %add3A_3 = arith.constant 0 : i32
    %add3A_4 = arith.addi %mul3A_2, %add3A_3 : i32
    "tpu.region"() ({
      %run_scoped3A = tpu.sem_alloc : memref<!tpu.dma_semaphore, #tpu.memory_space<semaphore_mem>>
      %dma_start3A_61 = tpu.memref_slice %arg3[%add3A_4] : memref<8192xi32, #tpu.memory_space<hbm>> -> memref<128xi32, #tpu.memory_space<hbm>>
      %dma_start3A_62 = tpu.memref_slice %arg3[%add3A_4] : memref<8192xi32, #tpu.memory_space<hbm>> -> memref<128xi32, #tpu.memory_space<hbm>>
      tpu.enqueue_dma source(%dma_start3A_62 : memref<128xi32, #tpu.memory_space<hbm>>) target(%arg7 : memref<128xi32, #tpu.memory_space<vmem>>) target_semaphore(%run_scoped3A : memref<!tpu.dma_semaphore, #tpu.memory_space<semaphore_mem>>)
      %dma_wait3A_63 = tpu.memref_slice %arg3[%add3A_4] : memref<8192xi32, #tpu.memory_space<hbm>> -> memref<128xi32, #tpu.memory_space<hbm>>
      %dma_wait3A_64 = tpu.memref_slice %arg3[%add3A_4] : memref<8192xi32, #tpu.memory_space<hbm>> -> memref<128xi32, #tpu.memory_space<hbm>>
      tpu.wait_dma2 semaphore(%run_scoped3A : memref<!tpu.dma_semaphore, #tpu.memory_space<semaphore_mem>>) src(%dma_wait3A_64 : memref<128xi32, #tpu.memory_space<hbm>>) dst(%arg7 : memref<128xi32, #tpu.memory_space<vmem>>)
      tpu.yield
    }) : () -> ()
    "tpu.region"() ({
      %run_scoped3A = tpu.sem_alloc : memref<!tpu.dma_semaphore, #tpu.memory_space<semaphore_mem>>
      %dma_start3A_61 = tpu.memref_slice %arg4[%add3A_4] : memref<8192xi32, #tpu.memory_space<hbm>> -> memref<128xi32, #tpu.memory_space<hbm>>
      %dma_start3A_62 = tpu.memref_slice %arg4[%add3A_4] : memref<8192xi32, #tpu.memory_space<hbm>> -> memref<128xi32, #tpu.memory_space<hbm>>
      tpu.enqueue_dma source(%dma_start3A_62 : memref<128xi32, #tpu.memory_space<hbm>>) target(%arg9 : memref<128xi32, #tpu.memory_space<vmem>>) target_semaphore(%run_scoped3A : memref<!tpu.dma_semaphore, #tpu.memory_space<semaphore_mem>>)
      %dma_wait3A_63 = tpu.memref_slice %arg4[%add3A_4] : memref<8192xi32, #tpu.memory_space<hbm>> -> memref<128xi32, #tpu.memory_space<hbm>>
      %dma_wait3A_64 = tpu.memref_slice %arg4[%add3A_4] : memref<8192xi32, #tpu.memory_space<hbm>> -> memref<128xi32, #tpu.memory_space<hbm>>
      tpu.wait_dma2 semaphore(%run_scoped3A : memref<!tpu.dma_semaphore, #tpu.memory_space<semaphore_mem>>) src(%dma_wait3A_64 : memref<128xi32, #tpu.memory_space<hbm>>) dst(%arg9 : memref<128xi32, #tpu.memory_space<vmem>>)
      tpu.yield
    }) : () -> ()
    %dma_start3A = arith.constant 0 : i32
    %dma_start3A_5 = arith.constant 0 : i32
    %dma_start3A_6 = tpu.memref_slice %arg2[%dma_start3A, %dma_start3A_5] : memref<1024x128xf32, #tpu.memory_space<hbm>> -> memref<1024x128xf32, #tpu.memory_space<hbm>>
    tpu.enqueue_indirect_dma source(%dma_start3A_6 : memref<1024x128xf32, #tpu.memory_space<hbm>>) target(%arg11 : memref<128x128xf32, #tpu.memory_space<vmem>>) offsets(%arg7 : memref<128xi32, #tpu.memory_space<vmem>>) semaphore(%arg15 : memref<!tpu.dma_semaphore, #tpu.memory_space<semaphore_mem>>)
    %dma_start3A_7 = arith.constant 0 : i32
    %dma_start3A_8 = arith.constant 0 : i32
    %dma_start3A_9 = tpu.memref_slice %arg2[%dma_start3A_7, %dma_start3A_8] : memref<1024x128xf32, #tpu.memory_space<hbm>> -> memref<1024x128xf32, #tpu.memory_space<hbm>>
    tpu.enqueue_indirect_dma source(%dma_start3A_9 : memref<1024x128xf32, #tpu.memory_space<hbm>>) target(%arg13 : memref<128x128xf32, #tpu.memory_space<vmem>>) offsets(%arg9 : memref<128xi32, #tpu.memory_space<vmem>>) semaphore(%arg15 : memref<!tpu.dma_semaphore, #tpu.memory_space<semaphore_mem>>)
    %dma_wait3A = arith.constant 0 : i32
    %dma_wait3A_10 = arith.constant 0 : i32
    %dma_wait3A_11 = tpu.memref_slice %arg2[%dma_wait3A, %dma_wait3A_10] : memref<1024x128xf32, #tpu.memory_space<hbm>> -> memref<1024x128xf32, #tpu.memory_space<hbm>>
    tpu.wait_indirect_dma semaphore(%arg15 : memref<!tpu.dma_semaphore, #tpu.memory_space<semaphore_mem>>) src(%dma_wait3A_11 : memref<1024x128xf32, #tpu.memory_space<hbm>>) dst(%arg11 : memref<128x128xf32, #tpu.memory_space<vmem>>)
    %dma_wait3A_12 = arith.constant 0 : i32
    %dma_wait3A_13 = arith.constant 0 : i32
    %dma_wait3A_14 = tpu.memref_slice %arg2[%dma_wait3A_12, %dma_wait3A_13] : memref<1024x128xf32, #tpu.memory_space<hbm>> -> memref<1024x128xf32, #tpu.memory_space<hbm>>
    tpu.wait_indirect_dma semaphore(%arg15 : memref<!tpu.dma_semaphore, #tpu.memory_space<semaphore_mem>>) src(%dma_wait3A_14 : memref<1024x128xf32, #tpu.memory_space<hbm>>) dst(%arg13 : memref<128x128xf32, #tpu.memory_space<vmem>>)
    %dma_start3A_15 = arith.constant 0 : i32
    %dma_start3A_16 = tpu.memref_slice %arg5[%add3A_4, %dma_start3A_15] : memref<8192x128xf32, #tpu.memory_space<hbm>> -> memref<128x128xf32, #tpu.memory_space<hbm>>
    %dma_start3A_17 = arith.constant 0 : i32
    %dma_start3A_18 = tpu.memref_slice %arg5[%add3A_4, %dma_start3A_17] : memref<8192x128xf32, #tpu.memory_space<hbm>> -> memref<128x128xf32, #tpu.memory_space<hbm>>
    tpu.enqueue_dma source(%arg11 : memref<128x128xf32, #tpu.memory_space<vmem>>) target(%dma_start3A_18 : memref<128x128xf32, #tpu.memory_space<hbm>>) target_semaphore(%arg17 : memref<!tpu.dma_semaphore, #tpu.memory_space<semaphore_mem>>)
    %dma_start3A_19 = arith.constant 0 : i32
    %dma_start3A_20 = tpu.memref_slice %arg6[%add3A_4, %dma_start3A_19] : memref<8192x128xf32, #tpu.memory_space<hbm>> -> memref<128x128xf32, #tpu.memory_space<hbm>>
    %dma_start3A_21 = arith.constant 0 : i32
    %dma_start3A_22 = tpu.memref_slice %arg6[%add3A_4, %dma_start3A_21] : memref<8192x128xf32, #tpu.memory_space<hbm>> -> memref<128x128xf32, #tpu.memory_space<hbm>>
    tpu.enqueue_dma source(%arg13 : memref<128x128xf32, #tpu.memory_space<vmem>>) target(%dma_start3A_22 : memref<128x128xf32, #tpu.memory_space<hbm>>) target_semaphore(%arg17 : memref<!tpu.dma_semaphore, #tpu.memory_space<semaphore_mem>>)
    %add3A_23 = arith.constant 128 : i32
    %add3A_24 = arith.addi %mul3A_2, %add3A_23 : i32
    "tpu.region"() ({
      %run_scoped3A = tpu.sem_alloc : memref<!tpu.dma_semaphore, #tpu.memory_space<semaphore_mem>>
      %dma_start3A_61 = tpu.memref_slice %arg3[%add3A_24] : memref<8192xi32, #tpu.memory_space<hbm>> -> memref<128xi32, #tpu.memory_space<hbm>>
      %dma_start3A_62 = tpu.memref_slice %arg3[%add3A_24] : memref<8192xi32, #tpu.memory_space<hbm>> -> memref<128xi32, #tpu.memory_space<hbm>>
      tpu.enqueue_dma source(%dma_start3A_62 : memref<128xi32, #tpu.memory_space<hbm>>) target(%arg8 : memref<128xi32, #tpu.memory_space<vmem>>) target_semaphore(%run_scoped3A : memref<!tpu.dma_semaphore, #tpu.memory_space<semaphore_mem>>)
      %dma_wait3A_63 = tpu.memref_slice %arg3[%add3A_24] : memref<8192xi32, #tpu.memory_space<hbm>> -> memref<128xi32, #tpu.memory_space<hbm>>
      %dma_wait3A_64 = tpu.memref_slice %arg3[%add3A_24] : memref<8192xi32, #tpu.memory_space<hbm>> -> memref<128xi32, #tpu.memory_space<hbm>>
      tpu.wait_dma2 semaphore(%run_scoped3A : memref<!tpu.dma_semaphore, #tpu.memory_space<semaphore_mem>>) src(%dma_wait3A_64 : memref<128xi32, #tpu.memory_space<hbm>>) dst(%arg8 : memref<128xi32, #tpu.memory_space<vmem>>)
      tpu.yield
    }) : () -> ()
    "tpu.region"() ({
      %run_scoped3A = tpu.sem_alloc : memref<!tpu.dma_semaphore, #tpu.memory_space<semaphore_mem>>
      %dma_start3A_61 = tpu.memref_slice %arg4[%add3A_24] : memref<8192xi32, #tpu.memory_space<hbm>> -> memref<128xi32, #tpu.memory_space<hbm>>
      %dma_start3A_62 = tpu.memref_slice %arg4[%add3A_24] : memref<8192xi32, #tpu.memory_space<hbm>> -> memref<128xi32, #tpu.memory_space<hbm>>
      tpu.enqueue_dma source(%dma_start3A_62 : memref<128xi32, #tpu.memory_space<hbm>>) target(%arg10 : memref<128xi32, #tpu.memory_space<vmem>>) target_semaphore(%run_scoped3A : memref<!tpu.dma_semaphore, #tpu.memory_space<semaphore_mem>>)
      %dma_wait3A_63 = tpu.memref_slice %arg4[%add3A_24] : memref<8192xi32, #tpu.memory_space<hbm>> -> memref<128xi32, #tpu.memory_space<hbm>>
      %dma_wait3A_64 = tpu.memref_slice %arg4[%add3A_24] : memref<8192xi32, #tpu.memory_space<hbm>> -> memref<128xi32, #tpu.memory_space<hbm>>
      tpu.wait_dma2 semaphore(%run_scoped3A : memref<!tpu.dma_semaphore, #tpu.memory_space<semaphore_mem>>) src(%dma_wait3A_64 : memref<128xi32, #tpu.memory_space<hbm>>) dst(%arg10 : memref<128xi32, #tpu.memory_space<vmem>>)
      tpu.yield
    }) : () -> ()
    %dma_start3A_25 = arith.constant 0 : i32
    %dma_start3A_26 = arith.constant 0 : i32
    %dma_start3A_27 = tpu.memref_slice %arg2[%dma_start3A_25, %dma_start3A_26] : memref<1024x128xf32, #tpu.memory_space<hbm>> -> memref<1024x128xf32, #tpu.memory_space<hbm>>
    tpu.enqueue_indirect_dma source(%dma_start3A_27 : memref<1024x128xf32, #tpu.memory_space<hbm>>) target(%arg12 : memref<128x128xf32, #tpu.memory_space<vmem>>) offsets(%arg8 : memref<128xi32, #tpu.memory_space<vmem>>) semaphore(%arg16 : memref<!tpu.dma_semaphore, #tpu.memory_space<semaphore_mem>>)
    %dma_start3A_28 = arith.constant 0 : i32
    %dma_start3A_29 = arith.constant 0 : i32
    %dma_start3A_30 = tpu.memref_slice %arg2[%dma_start3A_28, %dma_start3A_29] : memref<1024x128xf32, #tpu.memory_space<hbm>> -> memref<1024x128xf32, #tpu.memory_space<hbm>>
    tpu.enqueue_indirect_dma source(%dma_start3A_30 : memref<1024x128xf32, #tpu.memory_space<hbm>>) target(%arg14 : memref<128x128xf32, #tpu.memory_space<vmem>>) offsets(%arg10 : memref<128xi32, #tpu.memory_space<vmem>>) semaphore(%arg16 : memref<!tpu.dma_semaphore, #tpu.memory_space<semaphore_mem>>)
    %dma_wait3A_31 = arith.constant 0 : i32
    %dma_wait3A_32 = arith.constant 0 : i32
    %dma_wait3A_33 = tpu.memref_slice %arg2[%dma_wait3A_31, %dma_wait3A_32] : memref<1024x128xf32, #tpu.memory_space<hbm>> -> memref<1024x128xf32, #tpu.memory_space<hbm>>
    tpu.wait_indirect_dma semaphore(%arg16 : memref<!tpu.dma_semaphore, #tpu.memory_space<semaphore_mem>>) src(%dma_wait3A_33 : memref<1024x128xf32, #tpu.memory_space<hbm>>) dst(%arg12 : memref<128x128xf32, #tpu.memory_space<vmem>>)
    %dma_wait3A_34 = arith.constant 0 : i32
    %dma_wait3A_35 = arith.constant 0 : i32
    %dma_wait3A_36 = tpu.memref_slice %arg2[%dma_wait3A_34, %dma_wait3A_35] : memref<1024x128xf32, #tpu.memory_space<hbm>> -> memref<1024x128xf32, #tpu.memory_space<hbm>>
    tpu.wait_indirect_dma semaphore(%arg16 : memref<!tpu.dma_semaphore, #tpu.memory_space<semaphore_mem>>) src(%dma_wait3A_36 : memref<1024x128xf32, #tpu.memory_space<hbm>>) dst(%arg14 : memref<128x128xf32, #tpu.memory_space<vmem>>)
    %dma_start3A_37 = arith.constant 0 : i32
    %dma_start3A_38 = tpu.memref_slice %arg5[%add3A_24, %dma_start3A_37] : memref<8192x128xf32, #tpu.memory_space<hbm>> -> memref<128x128xf32, #tpu.memory_space<hbm>>
    %dma_start3A_39 = arith.constant 0 : i32
    %dma_start3A_40 = tpu.memref_slice %arg5[%add3A_24, %dma_start3A_39] : memref<8192x128xf32, #tpu.memory_space<hbm>> -> memref<128x128xf32, #tpu.memory_space<hbm>>
    tpu.enqueue_dma source(%arg12 : memref<128x128xf32, #tpu.memory_space<vmem>>) target(%dma_start3A_40 : memref<128x128xf32, #tpu.memory_space<hbm>>) target_semaphore(%arg18 : memref<!tpu.dma_semaphore, #tpu.memory_space<semaphore_mem>>)
    %dma_start3A_41 = arith.constant 0 : i32
    %dma_start3A_42 = tpu.memref_slice %arg6[%add3A_24, %dma_start3A_41] : memref<8192x128xf32, #tpu.memory_space<hbm>> -> memref<128x128xf32, #tpu.memory_space<hbm>>
    %dma_start3A_43 = arith.constant 0 : i32
    %dma_start3A_44 = tpu.memref_slice %arg6[%add3A_24, %dma_start3A_43] : memref<8192x128xf32, #tpu.memory_space<hbm>> -> memref<128x128xf32, #tpu.memory_space<hbm>>
    tpu.enqueue_dma source(%arg14 : memref<128x128xf32, #tpu.memory_space<vmem>>) target(%dma_start3A_44 : memref<128x128xf32, #tpu.memory_space<hbm>>) target_semaphore(%arg18 : memref<!tpu.dma_semaphore, #tpu.memory_space<semaphore_mem>>)
    %dma_wait3A_45 = arith.constant 0 : i32
    %dma_wait3A_46 = tpu.memref_slice %arg5[%add3A_4, %dma_wait3A_45] : memref<8192x128xf32, #tpu.memory_space<hbm>> -> memref<128x128xf32, #tpu.memory_space<hbm>>
    %dma_wait3A_47 = arith.constant 0 : i32
    %dma_wait3A_48 = tpu.memref_slice %arg5[%add3A_4, %dma_wait3A_47] : memref<8192x128xf32, #tpu.memory_space<hbm>> -> memref<128x128xf32, #tpu.memory_space<hbm>>
    tpu.wait_dma2 semaphore(%arg17 : memref<!tpu.dma_semaphore, #tpu.memory_space<semaphore_mem>>) src(%arg11 : memref<128x128xf32, #tpu.memory_space<vmem>>) dst(%dma_wait3A_48 : memref<128x128xf32, #tpu.memory_space<hbm>>)
    %dma_wait3A_49 = arith.constant 0 : i32
    %dma_wait3A_50 = tpu.memref_slice %arg6[%add3A_4, %dma_wait3A_49] : memref<8192x128xf32, #tpu.memory_space<hbm>> -> memref<128x128xf32, #tpu.memory_space<hbm>>
    %dma_wait3A_51 = arith.constant 0 : i32
    %dma_wait3A_52 = tpu.memref_slice %arg6[%add3A_4, %dma_wait3A_51] : memref<8192x128xf32, #tpu.memory_space<hbm>> -> memref<128x128xf32, #tpu.memory_space<hbm>>
    tpu.wait_dma2 semaphore(%arg17 : memref<!tpu.dma_semaphore, #tpu.memory_space<semaphore_mem>>) src(%arg13 : memref<128x128xf32, #tpu.memory_space<vmem>>) dst(%dma_wait3A_52 : memref<128x128xf32, #tpu.memory_space<hbm>>)
    %dma_wait3A_53 = arith.constant 0 : i32
    %dma_wait3A_54 = tpu.memref_slice %arg5[%add3A_24, %dma_wait3A_53] : memref<8192x128xf32, #tpu.memory_space<hbm>> -> memref<128x128xf32, #tpu.memory_space<hbm>>
    %dma_wait3A_55 = arith.constant 0 : i32
    %dma_wait3A_56 = tpu.memref_slice %arg5[%add3A_24, %dma_wait3A_55] : memref<8192x128xf32, #tpu.memory_space<hbm>> -> memref<128x128xf32, #tpu.memory_space<hbm>>
    tpu.wait_dma2 semaphore(%arg18 : memref<!tpu.dma_semaphore, #tpu.memory_space<semaphore_mem>>) src(%arg12 : memref<128x128xf32, #tpu.memory_space<vmem>>) dst(%dma_wait3A_56 : memref<128x128xf32, #tpu.memory_space<hbm>>)
    %dma_wait3A_57 = arith.constant 0 : i32
    %dma_wait3A_58 = tpu.memref_slice %arg6[%add3A_24, %dma_wait3A_57] : memref<8192x128xf32, #tpu.memory_space<hbm>> -> memref<128x128xf32, #tpu.memory_space<hbm>>
    %dma_wait3A_59 = arith.constant 0 : i32
    %dma_wait3A_60 = tpu.memref_slice %arg6[%add3A_24, %dma_wait3A_59] : memref<8192x128xf32, #tpu.memory_space<hbm>> -> memref<128x128xf32, #tpu.memory_space<hbm>>
    tpu.wait_dma2 semaphore(%arg18 : memref<!tpu.dma_semaphore, #tpu.memory_space<semaphore_mem>>) src(%arg14 : memref<128x128xf32, #tpu.memory_space<vmem>>) dst(%dma_wait3A_60 : memref<128x128xf32, #tpu.memory_space<hbm>>)
    return
  }
}

module attributes {stable_mosaic.version = 14 : i64} {
  func.func @_top2_kernel(%arg0: i32, %arg1: memref<1024x64xf32, #tpu.memory_space<vmem>>, %arg2: memref<1024x64xf32, #tpu.memory_space<vmem>>, %arg3: memref<1024xi32, #tpu.memory_space<vmem>>, %arg4: memref<1024xi32, #tpu.memory_space<vmem>>) attributes {dimension_semantics = [#tpu.dimension_semantics<arbitrary>], iteration_bounds = array<i64: 8>, scalar_prefetch = 0 : i64, scratch_operands = 0 : i64, tpu.core_type = #tpu.core_type<tc>, window_params = [{transform_indices = @transform_0, window_bounds = array<i64: 1024, 64>}, {pipeline_mode = #tpu.pipeline_mode<synchronous>, transform_indices = @transform_1, window_bounds = array<i64: 1024, 64>}, {transform_indices = @transform_2, window_bounds = array<i64: 1024>}, {transform_indices = @transform_3, window_bounds = array<i64: 1024>}]} {
    %get3A = arith.constant 0 : index
    %get3A_0 = arith.constant 0 : index
    %get3A_1 = vector.load %arg1[%get3A, %get3A_0] : memref<1024x64xf32, #tpu.memory_space<vmem>>, vector<1024x64xf32>
    %get3A_2 = arith.constant 0 : index
    %get3A_3 = arith.constant 0 : index
    %get3A_4 = vector.load %arg2[%get3A_2, %get3A_3] : memref<1024x64xf32, #tpu.memory_space<vmem>>, vector<1024x64xf32>
    %mul3A = arith.mulf %get3A_4, %get3A_4 : vector<1024x64xf32>
    %reduce_sum3A = arith.constant dense<0.000000e+00> : vector<1024xf32>
    %reduce_sum3A_5 = vector.multi_reduction <add>, %mul3A, %reduce_sum3A [1] : vector<1024x64xf32> to vector<1024xf32>
    %broadcast_in_dim3A = vector.shape_cast %reduce_sum3A_5 : vector<1024xf32> to vector<1024x1xf32>
    %mul3A_6 = arith.constant -2.000000e+00 : f32
    %mul3A_7 = vector.broadcast %mul3A_6 : f32 to vector<1024x64xf32>
    %mul3A_8 = arith.mulf %mul3A_7, %get3A_4 : vector<1024x64xf32>
    %concatenate3A = tpu.concatenate %mul3A_8, %broadcast_in_dim3A in 1 : vector<1024x64xf32>, vector<1024x1xf32> -> vector<1024x65xf32>
    %broadcast_in_dim3A_9 = arith.constant 1.000000e+00 : f32
    %broadcast_in_dim3A_10 = vector.broadcast %broadcast_in_dim3A_9 : f32 to vector<1024x1xf32>
    %concatenate3A_11 = tpu.concatenate %get3A_1, %broadcast_in_dim3A_10 in 1 : vector<1024x64xf32>, vector<1024x1xf32> -> vector<1024x65xf32>
    %dot_general3A = arith.constant dense<0.000000e+00> : vector<1024x1024xf32>
    %dot_general3A_12 = tpu.matmul %concatenate3A_11, %concatenate3A, %dot_general3A {dimension_numbers = #tpu.dot_dimension_numbers<[1], [1], [0], [0], [0, 0, 1, 0], [], []>, precision = #tpu.contract_precision<fp32>, transpose_lhs_hint = false} : vector<1024x65xf32>, vector<1024x65xf32>, vector<1024x1024xf32> -> vector<1024x1024xf32>
    %iota3A = tpu.iota {dimensions = array<i32: 1>} : vector<1024x1024xi32>
    %reduce_min3A = arith.constant dense<0x7F800000> : vector<1024xf32>
    %reduce_min3A_13 = vector.multi_reduction <minimumf>, %dot_general3A_12, %reduce_min3A [1] : vector<1024x1024xf32> to vector<1024xf32>
    %broadcast_in_dim3A_14 = vector.shape_cast %reduce_min3A_13 : vector<1024xf32> to vector<1024x1xf32>
    %eq3A = vector.broadcast %broadcast_in_dim3A_14 : vector<1024x1xf32> to vector<1024x1024xf32>
    %eq3A_15 = arith.cmpf oeq, %dot_general3A_12, %eq3A : vector<1024x1024xf32>
    %jit3A = arith.constant 1024 : i32
    %broadcast_in_dim3A_16 = vector.broadcast %jit3A : i32 to vector<1024x1024xi32>
    %select_n3A = arith.select %eq3A_15, %iota3A, %broadcast_in_dim3A_16 : vector<1024x1024xi1>, vector<1024x1024xi32>
    %reduce_min3A_17 = arith.constant dense<2147483647> : vector<1024xi32>
    %reduce_min3A_18 = vector.multi_reduction <minsi>, %select_n3A, %reduce_min3A_17 [1] : vector<1024x1024xi32> to vector<1024xi32>
    %broadcast_in_dim3A_19 = vector.shape_cast %reduce_min3A_18 : vector<1024xi32> to vector<1024x1xi32>
    %eq3A_20 = vector.broadcast %broadcast_in_dim3A_19 : vector<1024x1xi32> to vector<1024x1024xi32>
    %eq3A_21 = arith.cmpi eq, %iota3A, %eq3A_20 : vector<1024x1024xi32>
    %jit3A_22 = arith.constant 0x7F800000 : f32
    %broadcast_in_dim3A_23 = vector.broadcast %jit3A_22 : f32 to vector<1024x1024xf32>
    %select_n3A_24 = arith.select %eq3A_21, %broadcast_in_dim3A_23, %dot_general3A_12 : vector<1024x1024xi1>, vector<1024x1024xf32>
    %reduce_min3A_25 = arith.constant dense<0x7F800000> : vector<1024xf32>
    %reduce_min3A_26 = vector.multi_reduction <minimumf>, %select_n3A_24, %reduce_min3A_25 [1] : vector<1024x1024xf32> to vector<1024xf32>
    %broadcast_in_dim3A_27 = vector.shape_cast %reduce_min3A_26 : vector<1024xf32> to vector<1024x1xf32>
    %eq3A_28 = vector.broadcast %broadcast_in_dim3A_27 : vector<1024x1xf32> to vector<1024x1024xf32>
    %eq3A_29 = arith.cmpf oeq, %select_n3A_24, %eq3A_28 : vector<1024x1024xf32>
    %jit3A_30 = arith.constant 1024 : i32
    %broadcast_in_dim3A_31 = vector.broadcast %jit3A_30 : i32 to vector<1024x1024xi32>
    %select_n3A_32 = arith.select %eq3A_29, %iota3A, %broadcast_in_dim3A_31 : vector<1024x1024xi1>, vector<1024x1024xi32>
    %reduce_min3A_33 = arith.constant dense<2147483647> : vector<1024xi32>
    %reduce_min3A_34 = vector.multi_reduction <minsi>, %select_n3A_32, %reduce_min3A_33 [1] : vector<1024x1024xi32> to vector<1024xi32>
    %broadcast_in_dim3A_35 = vector.shape_cast %reduce_min3A_34 : vector<1024xi32> to vector<1024x1xi32>
    %squeeze3A = vector.shape_cast %broadcast_in_dim3A_19 : vector<1024x1xi32> to vector<1024xi32>
    %swap3A = arith.constant 0 : index
    %swap3A_36 = vector.load %arg3[%swap3A] : memref<1024xi32, #tpu.memory_space<vmem>>, vector<1024xi32>
    tpu.vector_store %arg3[%swap3A], %squeeze3A {strides = array<i32>} : memref<1024xi32, #tpu.memory_space<vmem>>, vector<1024xi32>,
    %squeeze3A_37 = vector.shape_cast %broadcast_in_dim3A_35 : vector<1024x1xi32> to vector<1024xi32>
    %swap3A_38 = arith.constant 0 : index
    %swap3A_39 = vector.load %arg4[%swap3A_38] : memref<1024xi32, #tpu.memory_space<vmem>>, vector<1024xi32>
    tpu.vector_store %arg4[%swap3A_38], %squeeze3A_37 {strides = array<i32>} : memref<1024xi32, #tpu.memory_space<vmem>>, vector<1024xi32>,
    return
  }
  func.func @transform_0(%arg0: i32) -> (i32, i32) {
    %c0_i32 = arith.constant 0 : i32
    %c0_i32_0 = arith.constant 0 : i32
    return %arg0, %c0_i32 : i32, i32
  }
  func.func @transform_1(%arg0: i32) -> (i32, i32) {
    %c0_i32 = arith.constant 0 : i32
    %c0_i32_0 = arith.constant 0 : i32
    %c0_i32_1 = arith.constant 0 : i32
    return %c0_i32, %c0_i32_0 : i32, i32
  }
  func.func @transform_2(%arg0: i32) -> i32 {
    %c0_i32 = arith.constant 0 : i32
    return %arg0 : i32
  }
  func.func @transform_3(%arg0: i32) -> i32 {
    %c0_i32 = arith.constant 0 : i32
    return %arg0 : i32
  }
}

module attributes {stable_mosaic.version = 14 : i64} {
  func.func @_refine_kernel(%arg0: i32, %arg1: memref<2048x64xf32, #tpu.memory_space<vmem>>, %arg2: memref<2048x128xf32, #tpu.memory_space<vmem>>, %arg3: memref<2048x128xf32, #tpu.memory_space<vmem>>, %arg4: memref<2048xi32, #tpu.memory_space<vmem>>, %arg5: memref<2048xi32, #tpu.memory_space<vmem>>, %arg6: memref<2048x64xf32, #tpu.memory_space<vmem>>, %arg7: memref<2048xi32, #tpu.memory_space<vmem>>, %arg8: memref<1x1xf32, #tpu.memory_space<vmem>>) attributes {dimension_semantics = [#tpu.dimension_semantics<arbitrary>], iteration_bounds = array<i64: 4>, scalar_prefetch = 0 : i64, scratch_operands = 0 : i64, tpu.core_type = #tpu.core_type<tc>, window_params = [{transform_indices = @transform_0, window_bounds = array<i64: 2048, 64>}, {transform_indices = @transform_1, window_bounds = array<i64: 2048, 128>}, {transform_indices = @transform_2, window_bounds = array<i64: 2048, 128>}, {transform_indices = @transform_3, window_bounds = array<i64: 2048>}, {transform_indices = @transform_4, window_bounds = array<i64: 2048>}, {transform_indices = @transform_5, window_bounds = array<i64: 2048, 64>}, {transform_indices = @transform_6, window_bounds = array<i64: 2048>}, {pipeline_mode = #tpu.pipeline_mode<synchronous>, transform_indices = @transform_7, window_bounds = array<i64: 1, 1>}]} {
    %get3A = arith.constant 0 : index
    %get3A_0 = arith.constant 0 : index
    %get3A_1 = vector.load %arg1[%get3A, %get3A_0] : memref<2048x64xf32, #tpu.memory_space<vmem>>, vector<2048x64xf32>
    %get3A_2 = arith.constant 0 : index
    %get3A_3 = arith.constant 0 : index
    %get3A_4 = vector.load %arg2[%get3A_2, %get3A_3] : memref<2048x128xf32, #tpu.memory_space<vmem>>, vector<2048x128xf32>
    %slice3A = vector.extract_strided_slice %get3A_4 {offsets = [0, 0], sizes = [2048, 64], strides = [1, 1]} : vector<2048x128xf32> to vector<2048x64xf32>
    %get3A_5 = arith.constant 0 : index
    %get3A_6 = arith.constant 0 : index
    %get3A_7 = vector.load %arg3[%get3A_5, %get3A_6] : memref<2048x128xf32, #tpu.memory_space<vmem>>, vector<2048x128xf32>
    %slice3A_8 = vector.extract_strided_slice %get3A_7 {offsets = [0, 0], sizes = [2048, 64], strides = [1, 1]} : vector<2048x128xf32> to vector<2048x64xf32>
    %get3A_9 = arith.constant 0 : index
    %get3A_10 = vector.load %arg4[%get3A_9] : memref<2048xi32, #tpu.memory_space<vmem>>, vector<2048xi32>
    %broadcast_in_dim3A = vector.shape_cast %get3A_10 : vector<2048xi32> to vector<2048x1xi32>
    %get3A_11 = arith.constant 0 : index
    %get3A_12 = vector.load %arg5[%get3A_11] : memref<2048xi32, #tpu.memory_space<vmem>>, vector<2048xi32>
    %broadcast_in_dim3A_13 = vector.shape_cast %get3A_12 : vector<2048xi32> to vector<2048x1xi32>
    %sub3A = arith.subf %get3A_1, %slice3A : vector<2048x64xf32>
    %sub3A_14 = arith.subf %get3A_1, %slice3A_8 : vector<2048x64xf32>
    %mul3A = arith.mulf %sub3A, %sub3A : vector<2048x64xf32>
    %reduce_sum3A = arith.constant dense<0.000000e+00> : vector<2048xf32>
    %reduce_sum3A_15 = vector.multi_reduction <add>, %mul3A, %reduce_sum3A [1] : vector<2048x64xf32> to vector<2048xf32>
    %broadcast_in_dim3A_16 = vector.shape_cast %reduce_sum3A_15 : vector<2048xf32> to vector<2048x1xf32>
    %mul3A_17 = arith.mulf %sub3A_14, %sub3A_14 : vector<2048x64xf32>
    %reduce_sum3A_18 = arith.constant dense<0.000000e+00> : vector<2048xf32>
    %reduce_sum3A_19 = vector.multi_reduction <add>, %mul3A_17, %reduce_sum3A_18 [1] : vector<2048x64xf32> to vector<2048xf32>
    %broadcast_in_dim3A_20 = vector.shape_cast %reduce_sum3A_19 : vector<2048xf32> to vector<2048x1xf32>
    %sqrt3A = math.sqrt %broadcast_in_dim3A_16 : vector<2048x1xf32>
    %sqrt3A_21 = math.sqrt %broadcast_in_dim3A_20 : vector<2048x1xf32>
    %lt3A = arith.cmpf olt, %sqrt3A, %sqrt3A_21 : vector<2048x1xf32>
    %eq3A = arith.cmpf oeq, %sqrt3A, %sqrt3A_21 : vector<2048x1xf32>
    %lt3A_22 = arith.cmpi slt, %broadcast_in_dim3A, %broadcast_in_dim3A_13 : vector<2048x1xi32>
    %and3A = arith.andi %eq3A, %lt3A_22 : vector<2048x1xi1>
    %or3A = arith.ori %lt3A, %and3A : vector<2048x1xi1>
    %broadcast_in_dim3A_23 = vector.shape_cast %or3A : vector<2048x1xi1> to vector<2048x1xi1>
    %broadcast_in_dim3A_24 = vector.broadcast %broadcast_in_dim3A_23 : vector<2048x1xi1> to vector<2048x64xi1>
    %select_n3A = arith.select %broadcast_in_dim3A_24, %slice3A, %slice3A_8 : vector<2048x64xi1>, vector<2048x64xf32>
    %sub3A_25 = arith.subf %select_n3A, %get3A_1 : vector<2048x64xf32>
    %add3A = arith.addf %get3A_1, %sub3A_25 : vector<2048x64xf32>
    %swap3A = arith.constant 0 : index
    %swap3A_26 = arith.constant 0 : index
    %swap3A_27 = vector.load %arg6[%swap3A, %swap3A_26] : memref<2048x64xf32, #tpu.memory_space<vmem>>, vector<2048x64xf32>
    tpu.vector_store %arg6[%swap3A, %swap3A_26], %add3A {strides = array<i32>} : memref<2048x64xf32, #tpu.memory_space<vmem>>, vector<2048x64xf32>,
    %select_n3A_28 = arith.select %or3A, %broadcast_in_dim3A, %broadcast_in_dim3A_13 : vector<2048x1xi1>, vector<2048x1xi32>
    %squeeze3A = vector.shape_cast %select_n3A_28 : vector<2048x1xi32> to vector<2048xi32>
    %swap3A_29 = arith.constant 0 : index
    %swap3A_30 = vector.load %arg7[%swap3A_29] : memref<2048xi32, #tpu.memory_space<vmem>>, vector<2048xi32>
    tpu.vector_store %arg7[%swap3A_29], %squeeze3A {strides = array<i32>} : memref<2048xi32, #tpu.memory_space<vmem>>, vector<2048xi32>,
    %eq3A_31 = arith.constant 0 : i32
    %eq3A_32 = arith.cmpi eq, %arg0, %eq3A_31 : i32
    %convert_element_type3A = arith.extui %eq3A_32 : i1 to i32
    %cond3A = arith.constant 0 : i32
    %cond3A_33 = arith.cmpi ne, %convert_element_type3A, %cond3A : i32
    scf.if %cond3A_33 {
      %broadcast_in_dim3A_48 = arith.constant 0.000000e+00 : f32
      %broadcast_in_dim3A_49 = vector.broadcast %broadcast_in_dim3A_48 : f32 to vector<1x1xf32>
      %swap3A_50 = arith.constant 0 : index
      %swap3A_51 = arith.constant 0 : index
      %swap3A_52 = vector.load %arg8[%swap3A_50, %swap3A_51] : memref<1x1xf32, #tpu.memory_space<vmem>>, vector<1x1xf32>
      tpu.vector_store %arg8[%swap3A_50, %swap3A_51], %broadcast_in_dim3A_49 {strides = array<i32>} : memref<1x1xf32, #tpu.memory_space<vmem>>, vector<1x1xf32>,
    } else {
    }
    %get3A_34 = arith.constant 0 : index
    %get3A_35 = arith.constant 0 : index
    %get3A_36 = vector.load %arg8[%get3A_34, %get3A_35] : memref<1x1xf32, #tpu.memory_space<vmem>>, vector<1x1xf32>
    %mul3A_37 = arith.mulf %sub3A_25, %sub3A_25 : vector<2048x64xf32>
    %reduce_sum3A_38 = vector.shape_cast %mul3A_37 : vector<2048x64xf32> to vector<1x2048x64xf32>
    %reduce_sum3A_39 = arith.constant dense<0.000000e+00> : vector<1xf32>
    %reduce_sum3A_40 = vector.multi_reduction <add>, %reduce_sum3A_38, %reduce_sum3A_39 [1, 2] : vector<1x2048x64xf32> to vector<1xf32>
    %reduce_sum3A_41 = vector.shape_cast %reduce_sum3A_40 : vector<1xf32> to vector<1x1x1xf32>
    %reduce_sum3A_42 = vector.extract %reduce_sum3A_41[0, 0, 0] : f32 from vector<1x1x1xf32>
    %broadcast_in_dim3A_43 = vector.broadcast %reduce_sum3A_42 : f32 to vector<1x1xf32>
    %add3A_44 = arith.addf %get3A_36, %broadcast_in_dim3A_43 : vector<1x1xf32>
    %swap3A_45 = arith.constant 0 : index
    %swap3A_46 = arith.constant 0 : index
    %swap3A_47 = vector.load %arg8[%swap3A_45, %swap3A_46] : memref<1x1xf32, #tpu.memory_space<vmem>>, vector<1x1xf32>
    tpu.vector_store %arg8[%swap3A_45, %swap3A_46], %add3A_44 {strides = array<i32>} : memref<1x1xf32, #tpu.memory_space<vmem>>, vector<1x1xf32>,
    return
  }
  func.func @transform_0(%arg0: i32) -> (i32, i32) {
    %c0_i32 = arith.constant 0 : i32
    %c0_i32_0 = arith.constant 0 : i32
    return %arg0, %c0_i32 : i32, i32
  }
  func.func @transform_1(%arg0: i32) -> (i32, i32) {
    %c0_i32 = arith.constant 0 : i32
    %c0_i32_0 = arith.constant 0 : i32
    return %arg0, %c0_i32 : i32, i32
  }
  func.func @transform_2(%arg0: i32) -> (i32, i32) {
    %c0_i32 = arith.constant 0 : i32
    %c0_i32_0 = arith.constant 0 : i32
    return %arg0, %c0_i32 : i32, i32
  }
  func.func @transform_3(%arg0: i32) -> i32 {
    %c0_i32 = arith.constant 0 : i32
    return %arg0 : i32
  }
  func.func @transform_4(%arg0: i32) -> i32 {
    %c0_i32 = arith.constant 0 : i32
    return %arg0 : i32
  }
  func.func @transform_5(%arg0: i32) -> (i32, i32) {
    %c0_i32 = arith.constant 0 : i32
    %c0_i32_0 = arith.constant 0 : i32
    return %arg0, %c0_i32 : i32, i32
  }
  func.func @transform_6(%arg0: i32) -> i32 {
    %c0_i32 = arith.constant 0 : i32
    return %arg0 : i32
  }
  func.func @transform_7(%arg0: i32) -> (i32, i32) {
    %c0_i32 = arith.constant 0 : i32
    %c0_i32_0 = arith.constant 0 : i32
    %c0_i32_1 = arith.constant 0 : i32
    return %c0_i32, %c0_i32_0 : i32, i32
  }
}

</mosaic_0001>

<sc_bundles>
// kernel: kernel.11.cloned.1.call-start
scs
__scs_entry_jumppad:
0x0: {  	(pc) =	sbr.rel $0x88, $3  }
0x1: {  	(tag) =	ssettag $0x0;
	lr =	simm.s32 $0x1  }
0x2: {  	[smem:$0x3F9F] =	sst lr;
	_ =	strace $0xD0000000  }
0x3: {  	_ = 	snop  }
0x4: {  	_ = 	snop  }
0x5: {  	_ = 	snop  }
0x6: {  	_ = 	snop  }
0x7: {  	_ = 	snop  }
__scs_overlays_trampoline_lowered:
0x8: {  	[smem:$0x3FAE] =	sst s0  }
0x9: {  	[smem:$0x3FAF] =	sst s1  }
0xa: {  	[smem:$0x3FB0] =	sst s2  }
0xb: {  	[smem:$0x3FB1] =	sst s3  }
0xc: {  	[smem:$0x3FB2] =	sst s4  }
0xd: {  	[smem:$0x3FB3] =	sst s5  }
0xe: {  	[smem:$0x3FB4] =	sst s6  }
0xf: {  	[smem:$0x3FB5] =	sst s7  }
0x10: {  	[smem:$0x3FB6] =	sst s8  }
0x11: {  	[smem:$0x3FB7] =	sst s9;
	s0 =	simm.s32 @!p0 $0x0  }
0x12: {  	s1 =	sld [smem:$0x3F9D];
	s0 =	simm.s32 @p0 $0x1  }
0x13: {  	[smem:$0x3FB8] =	sst s0;
	s0 =	simm.s32 @!p1 $0x0  }
0x14: {  	s2 =	sld [smem:$0x3F9C];
	s0 =	simm.s32 @p1 $0x1  }
0x15: {  	[smem:$0x3FB9] =	sst s0;
	s0 =	simm.s32 @!p2 $0x0  }
0x16: {  	s3 =	sld [smem:$0x3FDB];
	s0 =	simm.s32 @p2 $0x1  }
0x17: {  	s4 =	simm.s32 $0x1BF5;
	[smem:$0x3FBB] =	sst s0  }
0x18: {  	s0 =	sld [smem:$0x3F9E];
	_ =	swait.ge [sflag:s4], $0x0  }
0x19: {  	s7 =	sld [smem:$0x3F9F]  }
0x1a: {  	s8 =	sadd.s32 $0xFFFFE003, lr  }
0x1b: {  	s9 =	sadd.s32 $0xFFFFFEF7, lr;
	s5 =	simm.s32 $0xFFFFFFFF;
	p2 =	slt.u32 s8, $0xFFFFF086  }
0x1c: {  	p1 =	slt.u32 s9, $0xF7A;
	s5 =	simm.s32 @!p2 $0x0  }
0x1d: {  	s5 =	simm.s32 @p1 $0x1;
	p0 =	seq.s32 s7, s2  }
0x1e: {  	s7 =	smul.u32 @!p0 $0xF7A, s2;
	p2 =	seq.s32 @!p0 s5, $0x0  }
0x1f: {  	s9 =	smul.u32 $0xF7A, s1;
	s8 =	simm.s32 @!p0 $0x1BF5;
	p2 =	por !p2, p0  }
0x20: {  	[sflag:s8] =	ssyncset.s32 @!p0 $0xFFFFF086;
	s6 =	sadd.s32 @!p0 s3, s7;
	s7 =	simm.s32 @!p0 $0x108  }
0x21: {  	s3 =	sadd.s32 s3, s9;
	s6 =	sadd.s32 @!p0 $0x88, s6;
	s7 =	simm.s32 @p2 $0x1082  }
0x22: {  	[simem:s7], [sflag:s8] =	dma.local @!p0 [hbm:s6], $0xF7A  }
0x23: {  	s9 =	sor.u32 $0xD0000000, s2;
	s6 =	simm.s32 $0x108;
	_ =	swait.ge @!p0 [sflag:s8], $0x0  }
0x24: {  	s3 =	sadd.s32 $0x88, s3;
	s6 =	simm.s32 @!p1 $0x1082;
	[sflag:s4] =	ssyncset.s32 $0xFFFFF086  }
0x25: {  	[simem:s6], [sflag:s4] =	dma.local [hbm:s3], $0xF7A  }
0x26: {  	[smem:$0x3F9F] =	sst s1;
	(tag) =	ssettag s2;
	_ =	strace s9  }
0x27: {  	s1 =	sld [smem:$0x3FAF]  }
0x28: {  	s2 =	sld [smem:$0x3FB0]  }
0x29: {  	s4 =	sld [smem:$0x3FB2]  }
0x2a: {  	p0 =	seq.s32 s5, $0x0;
	s5 =	sld [smem:$0x3FB3]  }
0x2b: {  	s6 =	sld [smem:$0x3FB4]  }
0x2c: {  	s7 =	sld [smem:$0x3FB5]  }
0x2d: {  	s3 =	simm.s32 $0x108;
	s8 =	sld [smem:$0x3FB6]  }
0x2e: {  	s3 =	simm.s32 @!p0 $0x1082;
	s9 =	sld [smem:$0x3FB7]  }
0x2f: {  	lr =	sadd.s32 s0, s3;
	s0 =	sld [smem:$0x3FAE]  }
0x30: {  	s3 =	sld [smem:$0x3FB1]  }
0x31: {  	[smem:$0x3FBA] =	sst s10  }
0x32: {  	s10 =	sld [smem:$0x3FB8];
	_ =	sdelay $0x3  }
0x33: {  	p0 =	seq.s32 s10, $0x1;
	s10 =	sld [smem:$0x3FBA];
	_ =	sdelay $0x3  }
0x34: {  	[smem:$0x3FBA] =	sst s10  }
0x35: {  	s10 =	sld [smem:$0x3FB9];
	_ =	sdelay $0x3  }
0x36: {  	p1 =	seq.s32 s10, $0x1;
	s10 =	sld [smem:$0x3FBA];
	_ =	sdelay $0x3  }
0x37: {  	[smem:$0x3FBA] =	sst s10  }
0x38: {  	s10 =	sld [smem:$0x3FBB]  }
0x39: {  	_ = 	snop;
	(pc) =	sbr.ind lr, $3  }
0x3a: {  	_ = 	snop  }
0x3b: {  	_ = 	snop  }
0x3c: {  	p2 =	seq.s32 s10, $0x1;
	s10 =	sld [smem:$0x3FBA]  }
0x3d: {  	_ =	shalt  }
0x3e: {  	_ =	shalt  }
0x3f: {  	_ =	shalt  }
0x40: {  	_ =	shalt  }
0x41: {  	_ =	shalt  }
0x42: {  	_ =	shalt  }
0x43: {  	_ =	shalt  }
0x44: {  	_ =	shalt  }
0x45: {  	_ =	shalt  }
0x46: {  	_ =	shalt  }
0x47: {  	_ =	shalt  }
0x48: {  	_ =	shalt  }
0x49: {  	_ =	shalt  }
0x4a: {  	_ =	shalt  }
0x4b: {  	_ =	shalt  }
0x4c: {  	_ =	shalt  }
0x4d: {  	_ =	shalt  }
0x4e: {  	_ =	shalt  }
0x4f: {  	_ =	shalt  }
0x50: {  	_ =	shalt  }
0x51: {  	_ =	shalt  }
0x52: {  	_ =	shalt  }
0x53: {  	_ =	shalt  }
0x54: {  	_ =	shalt  }
0x55: {  	_ =	shalt  }
0x56: {  	_ =	shalt  }
0x57: {  	_ =	shalt  }
0x58: {  	_ =	shalt  }
0x59: {  	_ =	shalt  }
0x5a: {  	_ =	shalt  }
0x5b: {  	_ =	shalt  }
0x5c: {  	_ =	shalt  }
0x5d: {  	_ =	shalt  }
0x5e: {  	_ =	shalt  }
0x5f: {  	_ =	shalt  }
0x60: {  	_ =	shalt  }
0x61: {  	_ =	shalt  }
0x62: {  	_ =	shalt  }
0x63: {  	_ =	shalt  }
0x64: {  	_ =	shalt  }
0x65: {  	_ =	shalt  }
0x66: {  	_ =	shalt  }
0x67: {  	_ =	shalt  }
0x68: {  	_ =	shalt  }
0x69: {  	_ =	shalt  }
0x6a: {  	_ =	shalt  }
0x6b: {  	_ =	shalt  }
0x6c: {  	_ =	shalt  }
0x6d: {  	_ =	shalt  }
0x6e: {  	_ =	shalt  }
0x6f: {  	_ =	shalt  }
0x70: {  	_ =	shalt  }
0x71: {  	_ =	shalt  }
0x72: {  	_ =	shalt  }
0x73: {  	_ =	shalt  }
0x74: {  	_ =	shalt  }
0x75: {  	_ =	shalt  }
0x76: {  	_ =	shalt  }
0x77: {  	_ =	shalt  }
0x78: {  	_ =	shalt  }
0x79: {  	_ =	shalt  }
0x7a: {  	_ =	shalt  }
0x7b: {  	_ =	shalt  }
0x7c: {  	_ =	shalt  }
0x7d: {  	_ =	shalt  }
0x7e: {  	_ =	shalt  }
0x7f: {  	_ =	shalt  }
0x80: {  	_ =	shalt  }
0x81: {  	_ =	shalt  }
0x82: {  	_ =	shalt  }
0x83: {  	_ =	shalt  }
0x84: {  	_ =	shalt  }
0x85: {  	_ =	shalt  }
0x86: {  	_ =	shalt  }
0x87: {  	_ =	shalt  }
.Lfunc_end0:
.L_simem_size_0:
called_computation.1_lowered:
.L_overlay_start_0:
0x88: {  	s2 =	sld [smem:$0x3FD9]  }
0x89: {  	s3 =	sld [smem:$0x3FFE];
	_ =	sdelay $0x1  }
0x8a: {  	s1 =	srdreg.scid  }
0x8b: {  	s0 =	sand.u32 $0x1, s1  }
0x8c: {  	s15 =	sshll.u32 s0, $0xA;
	s2 =	sadd.s32 s3, s2  }
0x8d: {  	s2 =	sadd.s32 s2, s15  }
0x8e: {  	[smem:$0x3FC6] =	sst s2  }
0x8f: {  	_ = 	snop  }
0x90: {  	s2 =	sld [smem:$0x3FD0];
	_ =	sdelay $0x2  }
0x91: {  	s4 =	simm.s32 $0xB;
	s16 =	simm.s32 $0x10  }
0x92: {  	[smem:s16], [sflag:s4] =	dma.local [hbm:s2], $0x1  }
0x93: {  	_ =	swait.eq [sflag:s4], $0x1  }
0x94: {  	[sflag:s4] =	ssyncset.done $0x0  }
0x95: {  	s17 =	sld [smem:$0x10];
	[sflag:s4] =	ssyncadd.s32 $0xFFFFFFFF  }
0x96: {  	s18 =	sld [smem:$0x13];
	(tm) =	ssettm $0x1  }
0x97: {  	s19 =	sld [smem:$0x3FFB];
	_ =	sdelay $0x3  }
0x98: {  	_ =	strace s19  }
0x99: {  	s2 =	sld [smem:$0x3FFC];
	_ =	sdelay $0x3  }
0x9a: {  	_ =	strace s2  }
0x9b: {  	s2 =	sld [smem:$0x3FFD];
	_ =	sdelay $0x3  }
0x9c: {  	_ =	strace s2  }
0x9d: {  	_ =	strace $0x8FFFFFFF  }
0x9e: {  	s20 =	sld [smem:$0x3FDB];
	_ =	sdelay $0x1  }
0x9f: {  	s5 =	simm.s32 $_scs_section_size  }
0xa0: {  	s6 =	simm.s32 $_size__tile_overlayer_lowered;
	s7 =	simm.s32 $_tile_overlayer_lowered  }
0xa1: {  	s8 =	simm.s32 $0x1BFF;
	s21 =	sshll.u32 s7, $0x1;
	s5 =	sadd.s32 s5, s20  }
0xa2: {  	s22 =	simm.s32 $0x0;
	s6 =	sshll.u32 s6, $0x1;
	s7 =	sadd.s32 s21, s5  }
0xa3: {  	[timem:s22], [sflag:s8] =	dma.local [hbm:s7], s6  }
0xa4: {  	_ =	swait.ge [sflag:s8], s6  }
0xa5: {  	s6 =	ssub.s32 $0x0, s6;
	[sflag:s8] =	ssyncset.done $0x0  }
0xa6: {  	[sflag:s8] =	ssyncadd.s32 s6;
	_ =	sdelay $0x1  }
0xa7: {  	s23 =	simm.s32 $0x1B8B  }
0xa8: {  	_ =	swait.ge [sflag:s23], $0x1  }
0xa9: {  	[sflag:s23] =	ssyncset.done $0x0  }
0xaa: {  	[sflag:s23] =	ssyncadd.s32 $0xFFFFFFFF  }
0xab: {  	s6 =	sld [smem:$0x0]  }
0xac: {  	s7 =	sand.u32 $0xFFFFFFFE, s1  }
0xad: {  	p0 =	sne.s32 s1, s7  }
0xae: {  	s7 =	sshll.u32 @p0 s7, $0xE  }
0xaf: {  	s7 =	sadd.s32 @p0 $0x11B8D, s7;
	s8 =	sshll.u32 @p0 s6, $0x11  }
0xb0: {  	s7 =	sor.u32 @p0 s8, s7  }
0xb1: {  	[sflag:s7] =	ssyncadd.remote.s32 @p0 $0x1;
	_ =	sdelay $0x1  }
0xb2: {  	s7 =	simm.s32 @p0 $0x1B8D  }
0xb3: {  	_ =	swait.eq @p0 [sflag:s7], $0x1  }
0xb4: {  	[sflag:s7] =	ssyncadd.s32 @p0 $0xFFFFFFFF  }
0xb5: {  	s8 =	sshll.u32 @!p0 s1, $0xE  }
0xb6: {  	s8 =	sor.u32 @!p0 $0x4000, s8;
	s7 =	simm.s32 @!p0 $0x1B8D  }
0xb7: {  	s6 =	sshll.u32 @!p0 s6, $0x11;
	s8 =	sadd.s32 @!p0 $0x11B8D, s8;
	_ =	swait.eq @!p0 [sflag:s7], $0x1  }
0xb8: {  	s6 =	sor.u32 @!p0 s6, s8;
	[sflag:s7] =	ssyncadd.s32 @!p0 $0xFFFFFFFF  }
0xb9: {  	s25 =	simm.s32 $0x1B8E;
	s24 =	sld [smem:$0x3FFE];
	[sflag:s6] =	ssyncadd.remote.s32 @!p0 $0x1  }
0xba: {  	s26 =	simm.s32 $execute0_lowered;
	[smem:$0x3FD2] =	sst s25  }
0xbb: {  	s7 =	sshll.u32 s26, $0x1;
	_ =	strace $0x80000049;
	[dreg:$0x1] =	wrdreg $0xFFFFFFFF  }
0xbc: {  	s28 =	simm.s32 $_size_execute0_lowered;
	s5 =	sadd.s32 s5, s7;
	[dreg:$0x0] =	wrdreg $0x0  }
0xbd: {  	s7 =	sshll.u32 s28, $0x1;
	[dreg:$0x2] =	wrdreg s5  }
0xbe: {  	[dreg:$0x3] =	wrdreg s7  }
0xbf: {  	[dreg:$0x4] =	wrdreg $0xC0  }
0xc0: {  	_ =	task [dreg:s22], $0x5FFFF  }
0xc1: {  	[dreg:$0x1] =	wrdreg $0xFFFFFFFF  }
0xc2: {  	[dreg:$0x0] =	wrdreg $0x60  }
0xc3: {  	[dreg:$0x2] =	wrdreg s24  }
0xc4: {  	[dreg:$0x3] =	wrdreg s18  }
0xc5: {  	[dreg:$0x4] =	wrdreg s17  }
0xc6: {  	[dreg:$0x5] =	wrdreg $0xA  }
0xc7: {  	_ =	task.clear_ibuf [dreg:s22], $0x6FFFF;
	_ =	strace $0x90000049  }
0xc8: {  	s29 =	simm.s32 $0xA;
	_ =	strace $0x8000004B  }
0xc9: {  	_ =	swait.ge [sflag:s29], $0x1  }
0xca: {  	[sflag:s29] =	ssyncadd.s32 $0xFFFFFFFF  }
0xcb: {  	_ =	strace $0x9000004B  }
0xcc: {  	_ =	sfence  }
0xcd: {  	s30 =	sld [smem:$0x0];
	_ =	sdelay $0x2  }
0xce: {  	s31 =	sshll.u32 s1, $0xD;
	s1 =	sshrl.u32 s1, $0x2  }
0xcf: {  	s4 =	sand.u32 $0x4000, s31;
	s1 =	sadd.s32 s1, s30  }
0xd0: {  	s0 =	sor.u32 s4, s0;
	s1 =	sshll.u32 s1, $0x11  }
0xd1: {  	s0 =	sor.u32 s1, s0  }
0xd2: {  	s0 =	sadd.s32 $0x8F2B, s0  }
0xd3: {  	[sflag:s0] =	ssyncadd.remote.s32 $0x1  }
0xd4: {  	_ =	sfence.sel $0xFFFF  }
0xd5: {  	[dreg:$0x0] =	wrdreg $0xFFFFFFFF;
	(pc) =	sbr.abs _section_cstart, $3  }
0xd6: {  	[dreg:$0x1] =	wrdreg $0xFFFFFFFF  }
0xd7: {  	_ =	task.clear_ibuf [dreg:s22], $0x2FFFF;
	_ =	strace $0x9FFFFFFF  }
0xd8: {  	(tm) =	ssettm $0x7FFFFFFF  }
0xd9: {  	_ =	shalt  }
tec
execute0_lowered:
.L_overlay_start_1:
0x0: {  	(tag) =	ssettag $0x1  }
0x1: {  	s12 =	rddreg [dreg:$0x0];
	s1 =	srdreg.scid  }
0x2: {  	s14 =	rddreg [dreg:$0x1];
	s0 =	stileid.u32;
	s23 =	sand.u32 $0x1, s1  }
0x3: {  	s20 =	rddreg [dreg:$0x2];
	s3 =	sshll.u32 s0, $0x9;
	s4 =	sshll.u32 s23, $0x8  }
0x4: {  	s2 =	simm.s32 $0x0;
	s1 =	rddreg [dreg:$0x3];
	s13 =	sor.u32 s4, s3  }
0x5: {  	[smem:$0x7FF] =	sst s2;
	s5 =	sshrl.u32 s13, $0x3  }
0x6: {  	_ =	strace $0x8000004A;
	s4 =	simm.s32 $0x5;
	s3 =	sadd.s32 s14, s5  }
0x7: {  	[tilespmem:s2], [sflag:$0x5] =	stream.linear.gather [hbm4b:s3+s2], $0x80, $0x38;
	[tilespmem:$0x10200] =	vst v63  }
0x8: {  	_ =	swait.ge [sflag:s4], $0x80  }
0x9: {  	s15 =	sadd.s32 $0x47C00, s12;
	[sflag:s4] =	ssyncset.done $0x0  }
0xa: {  	s6 =	simm.s32 $0x100;
	s5 =	sadd.s32 s15, s5;
	[sflag:s4] =	ssyncadd.s32 $0xFFFFFF80  }
0xb: {  	[tilespmem:s6], [sflag:$0x5] =	stream.linear.gather [hbm4b:s5+s2], $0x80, $0x38;
	[tilespmem:$0x10200] =	vst v63  }
0xc: {  	_ =	swait.ge [sflag:s4], $0x80  }
0xd: {  	s8 =	simm.s32 $0x80;
	[sflag:s4] =	ssyncset.done $0x0  }
0xe: {  	s9 =	simm.s32 $0x200;
	s7 =	sadd.s32 $0x3C00, s12;
	[sflag:s4] =	ssyncadd.s32 $0xFFFFFF80  }
0xf: {  	[tilespmem:s9], [sflag:$0x1] =	stream.indirect.gather [hbm4b:s7+s8], $0x80, s2, s8, $0xb8;
	[tilespmem:$0x10200] =	vst v63  }
0x10: {  	s10 =	simm.s32 $0x8200;
	s11 =	simm.s32 $0x1  }
0x11: {  	[tilespmem:s10], [sflag:$0x1] =	stream.indirect.gather [hbm4b:s7+s8], $0x80, s6, s8, $0xb8;
	[tilespmem:$0x10200] =	vst v63  }
0x12: {  	_ =	swait.ge [sflag:s11], $0x4000  }
0x13: {  	[sflag:s11] =	ssyncset.done $0x0  }
0x14: {  	[sflag:s11] =	ssyncadd.s32 $0xFFFFC000  }
0x15: {  	_ =	swait.ge [sflag:s11], $0x4000  }
0x16: {  	s21 =	sadd.s32 $0x48000, s12;
	s16 =	sshll.u32 s13, $0x4;
	[sflag:s11] =	ssyncset.done $0x0  }
0x17: {  	s22 =	sor.u32 $0x80, s13;
	s12 =	sadd.s32 s20, s16;
	[sflag:s11] =	ssyncadd.s32 $0xFFFFC000  }
0x18: {  	[hbm4b:s12+s2] =	stream.linear.scatter [tilespmem:s9], [sflag:$0x3], $0x4000, $0x38;
	[tilespmem:$0x10200] =	vst v63  }
0x19: {  	s13 =	sadd.s32 s21, s16;
	s31 =	sshrl.u32 s22, $0x3  }
0x1a: {  	[hbm4b:s13+s2] =	stream.linear.scatter [tilespmem:s10], [sflag:$0x3], $0x4000, $0x38;
	[tilespmem:$0x10200] =	vst v63  }
0x1b: {  	s14 =	sadd.s32 s14, s31  }
0x1c: {  	[tilespmem:s8], [sflag:$0x5] =	stream.linear.gather [hbm4b:s14+s2], $0x80, $0x38;
	[tilespmem:$0x10200] =	vst v63  }
0x1d: {  	_ =	swait.ge [sflag:s4], $0x80  }
0x1e: {  	[sflag:s4] =	ssyncset.done $0x0  }
0x1f: {  	s16 =	simm.s32 $0x180;
	s15 =	sadd.s32 s15, s31;
	[sflag:s4] =	ssyncadd.s32 $0xFFFFFF80  }
0x20: {  	[tilespmem:s16], [sflag:$0x5] =	stream.linear.gather [hbm4b:s15+s2], $0x80, $0x38;
	[tilespmem:$0x10200] =	vst v63  }
0x21: {  	_ =	swait.ge [sflag:s4], $0x80  }
0x22: {  	[sflag:s4] =	ssyncset.done $0x0  }
0x23: {  	s17 =	simm.s32 $0x4200;
	[sflag:s4] =	ssyncadd.s32 $0xFFFFFF80  }
0x24: {  	[tilespmem:s17], [sflag:$0x2] =	stream.indirect.gather [hbm4b:s7+s8], $0x80, s8, s8, $0xb8;
	[tilespmem:$0x10200] =	vst v63  }
0x25: {  	s18 =	simm.s32 $0xC200;
	s19 =	simm.s32 $0x2  }
0x26: {  	[tilespmem:s18], [sflag:$0x2] =	stream.indirect.gather [hbm4b:s7+s8], $0x80, s16, s8, $0xb8;
	[tilespmem:$0x10200] =	vst v63  }
0x27: {  	_ =	swait.ge [sflag:s19], $0x4000  }
0x28: {  	[sflag:s19] =	ssyncset.done $0x0  }
0x29: {  	[sflag:s19] =	ssyncadd.s32 $0xFFFFC000  }
0x2a: {  	_ =	swait.ge [sflag:s19], $0x4000  }
0x2b: {  	s22 =	sshll.u32 s22, $0x4;
	[sflag:s19] =	ssyncset.done $0x0  }
0x2c: {  	s20 =	sadd.s32 s20, s22;
	[sflag:s19] =	ssyncadd.s32 $0xFFFFC000  }
0x2d: {  	[hbm4b:s20+s2] =	stream.linear.scatter [tilespmem:s17], [sflag:$0x4], $0x4000, $0x38;
	[tilespmem:$0x10200] =	vst v63  }
0x2e: {  	s21 =	sadd.s32 s21, s22;
	s22 =	simm.s32 $0x3  }
0x2f: {  	[hbm4b:s21+s2] =	stream.linear.scatter [tilespmem:s18], [sflag:$0x4], $0x4000, $0x38;
	[tilespmem:$0x10200] =	vst v63  }
0x30: {  	_ =	swait.ge [sflag:s22], $0x4000  }
0x31: {  	s24 =	ssub.s32 $0x2, s23;
	[sflag:s22] =	ssyncset.done $0x0  }
0x32: {  	s25 =	sshrl.u32 s24, $0x1;
	[sflag:s22] =	ssyncadd.s32 $0xFFFFC000  }
0x33: {  	s24 =	ssub.s32 s24, s25;
	_ =	swait.ge [sflag:s22], $0x4000  }
0x34: {  	s24 =	smax.u32 s24, $0x1;
	[sflag:s22] =	ssyncset.done $0x0  }
0x35: {  	s23 =	simm.s32 $0x4;
	p0 =	sne.s32 s24, $0x1;
	[sflag:s22] =	ssyncadd.s32 $0xFFFFC000  }
.Ltmp0:
0x36: {  	_ =	swait.ge [sflag:s23], $0x4000;
	(pc) =	sbr.rel @!p0 .LBB2_2-.Ltmp0, $4  }
0x37: {  	[sflag:s23] =	ssyncset.done $0x0  }
0x38: {  	[sflag:s23] =	ssyncadd.s32 $0xFFFFC000  }
0x39: {  	_ =	swait.ge [sflag:s23], $0x4000  }
0x3a: {  	s24 =	sadd.s32 $0xFFFFFFFF, s24;
	[sflag:s23] =	ssyncset.done $0x0  }
.LBB2_1:
0x3b: {  	p0 =	sne.s32 s24, $0x1;
	s24 =	sadd.s32 $0xFFFFFFFF, s24;
	[sflag:s23] =	ssyncadd.s32 $0xFFFFC000  }
0x3c: {  	[tilespmem:s2], [sflag:$0x5] =	stream.linear.gather [hbm4b:s3+s2], $0x80, $0x38;
	[tilespmem:$0x10200] =	vst v63  }
0x3d: {  	_ =	swait.ge [sflag:s4], $0x80  }
0x3e: {  	[sflag:s4] =	ssyncset.done $0x0  }
0x3f: {  	[sflag:s4] =	ssyncadd.s32 $0xFFFFFF80  }
0x40: {  	[tilespmem:s6], [sflag:$0x5] =	stream.linear.gather [hbm4b:s5+s2], $0x80, $0x38;
	[tilespmem:$0x10200] =	vst v63  }
0x41: {  	_ =	swait.ge [sflag:s4], $0x80  }
0x42: {  	[sflag:s4] =	ssyncset.done $0x0  }
0x43: {  	[sflag:s4] =	ssyncadd.s32 $0xFFFFFF80  }
0x44: {  	[tilespmem:s9], [sflag:$0x1] =	stream.indirect.gather [hbm4b:s7+s8], $0x80, s2, s8, $0xb8;
	[tilespmem:$0x10200] =	vst v63  }
0x45: {  	_ = 	snop  }
0x46: {  	[tilespmem:s10], [sflag:$0x1] =	stream.indirect.gather [hbm4b:s7+s8], $0x80, s6, s8, $0xb8;
	[tilespmem:$0x10200] =	vst v63  }
0x47: {  	_ =	swait.ge [sflag:s11], $0x4000  }
0x48: {  	[sflag:s11] =	ssyncset.done $0x0  }
0x49: {  	[sflag:s11] =	ssyncadd.s32 $0xFFFFC000  }
0x4a: {  	_ =	swait.ge [sflag:s11], $0x4000  }
0x4b: {  	[sflag:s11] =	ssyncset.done $0x0  }
0x4c: {  	[sflag:s11] =	ssyncadd.s32 $0xFFFFC000  }
0x4d: {  	[hbm4b:s12+s2] =	stream.linear.scatter [tilespmem:s9], [sflag:$0x3], $0x4000, $0x38;
	[tilespmem:$0x10200] =	vst v63  }
0x4e: {  	_ = 	snop  }
0x4f: {  	[hbm4b:s13+s2] =	stream.linear.scatter [tilespmem:s10], [sflag:$0x3], $0x4000, $0x38;
	[tilespmem:$0x10200] =	vst v63  }
0x50: {  	_ = 	snop  }
0x51: {  	[tilespmem:s8], [sflag:$0x5] =	stream.linear.gather [hbm4b:s14+s2], $0x80, $0x38;
	[tilespmem:$0x10200] =	vst v63  }
0x52: {  	_ =	swait.ge [sflag:s4], $0x80  }
0x53: {  	[sflag:s4] =	ssyncset.done $0x0  }
0x54: {  	[sflag:s4] =	ssyncadd.s32 $0xFFFFFF80  }
0x55: {  	[tilespmem:s16], [sflag:$0x5] =	stream.linear.gather [hbm4b:s15+s2], $0x80, $0x38;
	[tilespmem:$0x10200] =	vst v63  }
0x56: {  	_ =	swait.ge [sflag:s4], $0x80  }
0x57: {  	[sflag:s4] =	ssyncset.done $0x0  }
0x58: {  	[sflag:s4] =	ssyncadd.s32 $0xFFFFFF80  }
0x59: {  	[tilespmem:s17], [sflag:$0x2] =	stream.indirect.gather [hbm4b:s7+s8], $0x80, s8, s8, $0xb8;
	[tilespmem:$0x10200] =	vst v63  }
0x5a: {  	_ = 	snop  }
0x5b: {  	[tilespmem:s18], [sflag:$0x2] =	stream.indirect.gather [hbm4b:s7+s8], $0x80, s16, s8, $0xb8;
	[tilespmem:$0x10200] =	vst v63  }
0x5c: {  	_ =	swait.ge [sflag:s19], $0x4000  }
0x5d: {  	[sflag:s19] =	ssyncset.done $0x0  }
0x5e: {  	[sflag:s19] =	ssyncadd.s32 $0xFFFFC000  }
0x5f: {  	_ =	swait.ge [sflag:s19], $0x4000  }
0x60: {  	[sflag:s19] =	ssyncset.done $0x0  }
0x61: {  	[sflag:s19] =	ssyncadd.s32 $0xFFFFC000  }
0x62: {  	[hbm4b:s20+s2] =	stream.linear.scatter [tilespmem:s17], [sflag:$0x4], $0x4000, $0x38;
	[tilespmem:$0x10200] =	vst v63  }
0x63: {  	_ = 	snop  }
0x64: {  	[hbm4b:s21+s2] =	stream.linear.scatter [tilespmem:s18], [sflag:$0x4], $0x4000, $0x38;
	[tilespmem:$0x10200] =	vst v63  }
0x65: {  	_ =	swait.ge [sflag:s22], $0x4000  }
0x66: {  	[sflag:s22] =	ssyncset.done $0x0  }
0x67: {  	[sflag:s22] =	ssyncadd.s32 $0xFFFFC000  }
0x68: {  	_ =	swait.ge [sflag:s22], $0x4000  }
0x69: {  	[sflag:s22] =	ssyncset.done $0x0  }
0x6a: {  	[sflag:s22] =	ssyncadd.s32 $0xFFFFC000  }
.Ltmp1:
0x6b: {  	_ =	swait.ge [sflag:s23], $0x4000;
	(pc) =	sbr.rel @p0 .LBB2_1-.Ltmp1, $4  }
0x6c: {  	[sflag:s23] =	ssyncset.done $0x0  }
0x6d: {  	[sflag:s23] =	ssyncadd.s32 $0xFFFFC000  }
0x6e: {  	_ =	swait.ge [sflag:s23], $0x4000  }
0x6f: {  	[sflag:s23] =	ssyncset.done $0x0  }
.LBB2_2:
0x70: {  	[sflag:s23] =	ssyncadd.s32 $0xFFFFC000  }
0x71: {  	_ =	sfence.sel $0x180000  }
0x72: {  	[bflag:$0x0] =	sbarrier.arrive $0xFFFF  }
0x73: {  	p0 =	sne.s32 s0, $0x0;
	_ =	strace $0x9000004A  }
0x74: {  	s0 =	sadd.s32 @!p0 $0x100000, s1;
	[bflag:$0x2] =	sbarrier.arrive $0xFFFF  }
0x75: {  	[sflag:s0] =	ssyncadd.tile.s32 @!p0 $0x1;
	_ =	shalt  }
.Lfunc_end2:
_tile_overlayer_lowered:
.L_overlay_start_2:
0x76: {  	(tag) =	ssettag $0x2  }
0x77: {  	s0 =	rddreg [dreg:$0x0];
	s2 =	stileid.u32  }
0x78: {  	s1 =	rddreg [dreg:$0x1];
	p0 =	sne.s32 s2, $0x0  }
0x79: {  	s3 =	rddreg [dreg:$0x2];
	[bflag:$0x3] =	sbarrier.arrive $0xFFFF;
	s2 =	simm.s32 @!p0 $0x1C05  }
0x7a: {  	[timem:s3], [sflag:s2] =	dma.local @!p0 [hbm:s0], s1  }
0x7b: {  	s0 =	simm.s32 @!p0 $0x5  }
0x7c: {  	_ =	swait.ge @!p0 [sflag:s0], s1  }
0x7d: {  	s1 =	ssub.s32 @!p0 $0x0, s1;
	[sflag:s0] =	ssyncset.done @!p0 $0x0  }
0x7e: {  	[sflag:s0] =	ssyncadd.s32 @!p0 s1  }
0x7f: {  	[bflag:$0x3] =	sbarrier.arrive $0xFFFF  }
0x80: {  	_ =	shalt  }

// kernel: kernel.8.cloned.1.call-start
scs
__scs_entry_jumppad:
0x0: {  	(pc) =	sbr.rel $0x88, $3  }
0x1: {  	(tag) =	ssettag $0x0;
	lr =	simm.s32 $0x1  }
0x2: {  	[smem:$0x3F9F] =	sst lr;
	_ =	strace $0xD0000000  }
0x3: {  	_ = 	snop  }
0x4: {  	_ = 	snop  }
0x5: {  	_ = 	snop  }
0x6: {  	_ = 	snop  }
0x7: {  	_ = 	snop  }
__scs_overlays_trampoline_lowered:
0x8: {  	[smem:$0x3FAE] =	sst s0  }
0x9: {  	[smem:$0x3FAF] =	sst s1  }
0xa: {  	[smem:$0x3FB0] =	sst s2  }
0xb: {  	[smem:$0x3FB1] =	sst s3  }
0xc: {  	[smem:$0x3FB2] =	sst s4  }
0xd: {  	[smem:$0x3FB3] =	sst s5  }
0xe: {  	[smem:$0x3FB4] =	sst s6  }
0xf: {  	[smem:$0x3FB5] =	sst s7  }
0x10: {  	[smem:$0x3FB6] =	sst s8  }
0x11: {  	[smem:$0x3FB7] =	sst s9;
	s0 =	simm.s32 @!p0 $0x0  }
0x12: {  	s1 =	sld [smem:$0x3F9D];
	s0 =	simm.s32 @p0 $0x1  }
0x13: {  	[smem:$0x3FB8] =	sst s0;
	s0 =	simm.s32 @!p1 $0x0  }
0x14: {  	s2 =	sld [smem:$0x3F9C];
	s0 =	simm.s32 @p1 $0x1  }
0x15: {  	[smem:$0x3FB9] =	sst s0;
	s0 =	simm.s32 @!p2 $0x0  }
0x16: {  	s3 =	sld [smem:$0x3FDB];
	s0 =	simm.s32 @p2 $0x1  }
0x17: {  	s4 =	simm.s32 $0x1BF5;
	[smem:$0x3FBB] =	sst s0  }
0x18: {  	s0 =	sld [smem:$0x3F9E];
	_ =	swait.ge [sflag:s4], $0x0  }
0x19: {  	s7 =	sld [smem:$0x3F9F]  }
0x1a: {  	s8 =	sadd.s32 $0xFFFFE003, lr  }
0x1b: {  	s9 =	sadd.s32 $0xFFFFFEF7, lr;
	s5 =	simm.s32 $0xFFFFFFFF;
	p2 =	slt.u32 s8, $0xFFFFF086  }
0x1c: {  	p1 =	slt.u32 s9, $0xF7A;
	s5 =	simm.s32 @!p2 $0x0  }
0x1d: {  	s5 =	simm.s32 @p1 $0x1;
	p0 =	seq.s32 s7, s2  }
0x1e: {  	s7 =	smul.u32 @!p0 $0xF7A, s2;
	p2 =	seq.s32 @!p0 s5, $0x0  }
0x1f: {  	s9 =	smul.u32 $0xF7A, s1;
	s8 =	simm.s32 @!p0 $0x1BF5;
	p2 =	por !p2, p0  }
0x20: {  	[sflag:s8] =	ssyncset.s32 @!p0 $0xFFFFF086;
	s6 =	sadd.s32 @!p0 s3, s7;
	s7 =	simm.s32 @!p0 $0x108  }
0x21: {  	s3 =	sadd.s32 s3, s9;
	s6 =	sadd.s32 @!p0 $0x88, s6;
	s7 =	simm.s32 @p2 $0x1082  }
0x22: {  	[simem:s7], [sflag:s8] =	dma.local @!p0 [hbm:s6], $0xF7A  }
0x23: {  	s9 =	sor.u32 $0xD0000000, s2;
	s6 =	simm.s32 $0x108;
	_ =	swait.ge @!p0 [sflag:s8], $0x0  }
0x24: {  	s3 =	sadd.s32 $0x88, s3;
	s6 =	simm.s32 @!p1 $0x1082;
	[sflag:s4] =	ssyncset.s32 $0xFFFFF086  }
0x25: {  	[simem:s6], [sflag:s4] =	dma.local [hbm:s3], $0xF7A  }
0x26: {  	[smem:$0x3F9F] =	sst s1;
	(tag) =	ssettag s2;
	_ =	strace s9  }
0x27: {  	s1 =	sld [smem:$0x3FAF]  }
0x28: {  	s2 =	sld [smem:$0x3FB0]  }
0x29: {  	s4 =	sld [smem:$0x3FB2]  }
0x2a: {  	p0 =	seq.s32 s5, $0x0;
	s5 =	sld [smem:$0x3FB3]  }
0x2b: {  	s6 =	sld [smem:$0x3FB4]  }
0x2c: {  	s7 =	sld [smem:$0x3FB5]  }
0x2d: {  	s3 =	simm.s32 $0x108;
	s8 =	sld [smem:$0x3FB6]  }
0x2e: {  	s3 =	simm.s32 @!p0 $0x1082;
	s9 =	sld [smem:$0x3FB7]  }
0x2f: {  	lr =	sadd.s32 s0, s3;
	s0 =	sld [smem:$0x3FAE]  }
0x30: {  	s3 =	sld [smem:$0x3FB1]  }
0x31: {  	[smem:$0x3FBA] =	sst s10  }
0x32: {  	s10 =	sld [smem:$0x3FB8];
	_ =	sdelay $0x3  }
0x33: {  	p0 =	seq.s32 s10, $0x1;
	s10 =	sld [smem:$0x3FBA];
	_ =	sdelay $0x3  }
0x34: {  	[smem:$0x3FBA] =	sst s10  }
0x35: {  	s10 =	sld [smem:$0x3FB9];
	_ =	sdelay $0x3  }
0x36: {  	p1 =	seq.s32 s10, $0x1;
	s10 =	sld [smem:$0x3FBA];
	_ =	sdelay $0x3  }
0x37: {  	[smem:$0x3FBA] =	sst s10  }
0x38: {  	s10 =	sld [smem:$0x3FBB]  }
0x39: {  	_ = 	snop;
	(pc) =	sbr.ind lr, $3  }
0x3a: {  	_ = 	snop  }
0x3b: {  	_ = 	snop  }
0x3c: {  	p2 =	seq.s32 s10, $0x1;
	s10 =	sld [smem:$0x3FBA]  }
0x3d: {  	_ =	shalt  }
0x3e: {  	_ =	shalt  }
0x3f: {  	_ =	shalt  }
0x40: {  	_ =	shalt  }
0x41: {  	_ =	shalt  }
0x42: {  	_ =	shalt  }
0x43: {  	_ =	shalt  }
0x44: {  	_ =	shalt  }
0x45: {  	_ =	shalt  }
0x46: {  	_ =	shalt  }
0x47: {  	_ =	shalt  }
0x48: {  	_ =	shalt  }
0x49: {  	_ =	shalt  }
0x4a: {  	_ =	shalt  }
0x4b: {  	_ =	shalt  }
0x4c: {  	_ =	shalt  }
0x4d: {  	_ =	shalt  }
0x4e: {  	_ =	shalt  }
0x4f: {  	_ =	shalt  }
0x50: {  	_ =	shalt  }
0x51: {  	_ =	shalt  }
0x52: {  	_ =	shalt  }
0x53: {  	_ =	shalt  }
0x54: {  	_ =	shalt  }
0x55: {  	_ =	shalt  }
0x56: {  	_ =	shalt  }
0x57: {  	_ =	shalt  }
0x58: {  	_ =	shalt  }
0x59: {  	_ =	shalt  }
0x5a: {  	_ =	shalt  }
0x5b: {  	_ =	shalt  }
0x5c: {  	_ =	shalt  }
0x5d: {  	_ =	shalt  }
0x5e: {  	_ =	shalt  }
0x5f: {  	_ =	shalt  }
0x60: {  	_ =	shalt  }
0x61: {  	_ =	shalt  }
0x62: {  	_ =	shalt  }
0x63: {  	_ =	shalt  }
0x64: {  	_ =	shalt  }
0x65: {  	_ =	shalt  }
0x66: {  	_ =	shalt  }
0x67: {  	_ =	shalt  }
0x68: {  	_ =	shalt  }
0x69: {  	_ =	shalt  }
0x6a: {  	_ =	shalt  }
0x6b: {  	_ =	shalt  }
0x6c: {  	_ =	shalt  }
0x6d: {  	_ =	shalt  }
0x6e: {  	_ =	shalt  }
0x6f: {  	_ =	shalt  }
0x70: {  	_ =	shalt  }
0x71: {  	_ =	shalt  }
0x72: {  	_ =	shalt  }
0x73: {  	_ =	shalt  }
0x74: {  	_ =	shalt  }
0x75: {  	_ =	shalt  }
0x76: {  	_ =	shalt  }
0x77: {  	_ =	shalt  }
0x78: {  	_ =	shalt  }
0x79: {  	_ =	shalt  }
0x7a: {  	_ =	shalt  }
0x7b: {  	_ =	shalt  }
0x7c: {  	_ =	shalt  }
0x7d: {  	_ =	shalt  }
0x7e: {  	_ =	shalt  }
0x7f: {  	_ =	shalt  }
0x80: {  	_ =	shalt  }
0x81: {  	_ =	shalt  }
0x82: {  	_ =	shalt  }
0x83: {  	_ =	shalt  }
0x84: {  	_ =	shalt  }
0x85: {  	_ =	shalt  }
0x86: {  	_ =	shalt  }
0x87: {  	_ =	shalt  }
.Lfunc_end0:
.L_simem_size_0:
called_computation_lowered:
.L_overlay_start_0:
0x88: {  	s2 =	sld [smem:$0x3FD9]  }
0x89: {  	s3 =	sld [smem:$0x3FFE];
	_ =	sdelay $0x1  }
0x8a: {  	s1 =	srdreg.scid  }
0x8b: {  	s0 =	sand.u32 $0x1, s1  }
0x8c: {  	s16 =	sshll.u32 s0, $0xA;
	s2 =	sadd.s32 s3, s2  }
0x8d: {  	s2 =	sadd.s32 s2, s16  }
0x8e: {  	[smem:$0x3FC6] =	sst s2  }
0x8f: {  	_ = 	snop  }
0x90: {  	(tm) =	ssettm $0x1  }
0x91: {  	s17 =	sld [smem:$0x3FFB];
	_ =	sdelay $0x3  }
0x92: {  	_ =	strace s17  }
0x93: {  	s2 =	sld [smem:$0x3FFC];
	_ =	sdelay $0x3  }
0x94: {  	_ =	strace s2  }
0x95: {  	s2 =	sld [smem:$0x3FFD];
	_ =	sdelay $0x3  }
0x96: {  	_ =	strace s2  }
0x97: {  	_ =	strace $0x8FFFFFFF  }
0x98: {  	s18 =	sld [smem:$0x3FDB];
	_ =	sdelay $0x1  }
0x99: {  	s19 =	simm.s32 $_scs_section_size  }
0x9a: {  	s4 =	simm.s32 $_size__tile_overlayer_lowered;
	s5 =	simm.s32 $_tile_overlayer_lowered  }
0x9b: {  	s22 =	simm.s32 $0x1BFF;
	s21 =	sshll.u32 s5, $0x1;
	s2 =	sadd.s32 s19, s18  }
0x9c: {  	s6 =	simm.s32 $0x0;
	s20 =	sshll.u32 s4, $0x1;
	s4 =	sadd.s32 s21, s2  }
0x9d: {  	[timem:s6], [sflag:s22] =	dma.local [hbm:s4], s20  }
0x9e: {  	_ =	swait.ge [sflag:s22], s20  }
0x9f: {  	s3 =	ssub.s32 $0x0, s20;
	[sflag:s22] =	ssyncset.done $0x0  }
0xa0: {  	[sflag:s22] =	ssyncadd.s32 s3;
	_ =	sdelay $0x1  }
0xa1: {  	s23 =	simm.s32 $0x1B8B  }
0xa2: {  	_ =	swait.ge [sflag:s23], $0x1  }
0xa3: {  	[sflag:s23] =	ssyncset.done $0x0  }
0xa4: {  	s25 =	simm.s32 $0x1B8E;
	s24 =	sld [smem:$0x3FFE];
	[sflag:s23] =	ssyncadd.s32 $0xFFFFFFFF  }
0xa5: {  	s26 =	simm.s32 $execute0_lowered;
	[smem:$0x3FD2] =	sst s25  }
0xa6: {  	s4 =	sshll.u32 s26, $0x1;
	_ =	strace $0x80000046;
	[dreg:$0x1] =	wrdreg $0xFFFFFFFF  }
0xa7: {  	s28 =	simm.s32 $_size_execute0_lowered;
	s2 =	sadd.s32 s2, s4;
	[dreg:$0x0] =	wrdreg $0x0  }
0xa8: {  	s4 =	sshll.u32 s28, $0x1;
	[dreg:$0x2] =	wrdreg s2  }
0xa9: {  	[dreg:$0x3] =	wrdreg s4  }
0xaa: {  	[dreg:$0x4] =	wrdreg $0xC0  }
0xab: {  	_ =	task [dreg:s6], $0x5FFFF  }
0xac: {  	[dreg:$0x1] =	wrdreg $0xFFFFFFFF  }
0xad: {  	[dreg:$0x0] =	wrdreg $0x60  }
0xae: {  	[dreg:$0x2] =	wrdreg s24  }
0xaf: {  	[dreg:$0x3] =	wrdreg $0x9  }
0xb0: {  	_ =	task.clear_ibuf [dreg:s6], $0x4FFFF;
	_ =	strace $0x90000046  }
0xb1: {  	s29 =	simm.s32 $0x9;
	_ =	strace $0x80000048  }
0xb2: {  	_ =	swait.ge [sflag:s29], $0x1  }
0xb3: {  	[sflag:s29] =	ssyncadd.s32 $0xFFFFFFFF  }
0xb4: {  	_ =	strace $0x90000048  }
0xb5: {  	_ =	sfence  }
0xb6: {  	s30 =	sld [smem:$0x0];
	_ =	sdelay $0x2  }
0xb7: {  	s31 =	sshll.u32 s1, $0xD;
	s1 =	sshrl.u32 s1, $0x2  }
0xb8: {  	s3 =	sand.u32 $0x4000, s31;
	s1 =	sadd.s32 s1, s30  }
0xb9: {  	s0 =	sor.u32 s3, s0;
	s1 =	sshll.u32 s1, $0x11  }
0xba: {  	s0 =	sor.u32 s1, s0  }
0xbb: {  	s0 =	sadd.s32 $0x8F2B, s0  }
0xbc: {  	[sflag:s0] =	ssyncadd.remote.s32 $0x1  }
0xbd: {  	_ =	sfence.sel $0xFFFF  }
0xbe: {  	[dreg:$0x0] =	wrdreg $0xFFFFFFFF;
	(pc) =	sbr.abs _section_cstart, $3  }
0xbf: {  	[dreg:$0x1] =	wrdreg $0xFFFFFFFF  }
0xc0: {  	_ =	task.clear_ibuf [dreg:s6], $0x2FFFF;
	_ =	strace $0x9FFFFFFF  }
0xc1: {  	(tm) =	ssettm $0x7FFFFFFF  }
tec
execute0_lowered:
.L_overlay_start_1:
0x0: {  	(tag) =	ssettag $0x1  }
0x1: {  	s1 =	srdreg.scid  }
0x2: {  	s0 =	stileid.u32;
	s23 =	sand.u32 $0x1, s1  }
0x3: {  	s12 =	rddreg [dreg:$0x0];
	s3 =	sshll.u32 s0, $0x9;
	s4 =	sshll.u32 s23, $0x8  }
0x4: {  	s2 =	simm.s32 $0x0;
	s1 =	rddreg [dreg:$0x1];
	s13 =	sor.u32 s4, s3  }
0x5: {  	[smem:$0x7FF] =	sst s2;
	s14 =	sadd.s32 $0x3400, s12;
	s5 =	sshrl.u32 s13, $0x3  }
0x6: {  	_ =	strace $0x80000047;
	s4 =	simm.s32 $0x5;
	s3 =	sadd.s32 s14, s5  }
0x7: {  	[tilespmem:s2], [sflag:$0x5] =	stream.linear.gather [hbm4b:s3+s2], $0x80, $0x38;
	[tilespmem:$0x10200] =	vst v63  }
0x8: {  	_ =	swait.ge [sflag:s4], $0x80  }
0x9: {  	s15 =	sadd.s32 $0x3800, s12;
	[sflag:s4] =	ssyncset.done $0x0  }
0xa: {  	s6 =	simm.s32 $0x100;
	s5 =	sadd.s32 s15, s5;
	[sflag:s4] =	ssyncadd.s32 $0xFFFFFF80  }
0xb: {  	[tilespmem:s6], [sflag:$0x5] =	stream.linear.gather [hbm4b:s5+s2], $0x80, $0x38;
	[tilespmem:$0x10200] =	vst v63  }
0xc: {  	_ =	swait.ge [sflag:s4], $0x80  }
0xd: {  	s8 =	simm.s32 $0x80;
	[sflag:s4] =	ssyncset.done $0x0  }
0xe: {  	s9 =	simm.s32 $0x200;
	s7 =	sadd.s32 $0x3C00, s12;
	[sflag:s4] =	ssyncadd.s32 $0xFFFFFF80  }
0xf: {  	[tilespmem:s9], [sflag:$0x1] =	stream.indirect.gather [hbm4b:s7+s8], $0x80, s2, s8, $0xb8;
	[tilespmem:$0x10200] =	vst v63  }
0x10: {  	s10 =	simm.s32 $0x8200;
	s11 =	simm.s32 $0x1  }
0x11: {  	[tilespmem:s10], [sflag:$0x1] =	stream.indirect.gather [hbm4b:s7+s8], $0x80, s6, s8, $0xb8;
	[tilespmem:$0x10200] =	vst v63  }
0x12: {  	_ =	swait.ge [sflag:s11], $0x4000  }
0x13: {  	[sflag:s11] =	ssyncset.done $0x0  }
0x14: {  	[sflag:s11] =	ssyncadd.s32 $0xFFFFC000  }
0x15: {  	s20 =	sadd.s32 $0x7C00, s12;
	_ =	swait.ge [sflag:s11], $0x4000  }
0x16: {  	s21 =	sadd.s32 $0x27C00, s12;
	s16 =	sshll.u32 s13, $0x4;
	[sflag:s11] =	ssyncset.done $0x0  }
0x17: {  	s22 =	sor.u32 $0x80, s13;
	s12 =	sadd.s32 s20, s16;
	[sflag:s11] =	ssyncadd.s32 $0xFFFFC000  }
0x18: {  	[hbm4b:s12+s2] =	stream.linear.scatter [tilespmem:s9], [sflag:$0x3], $0x4000, $0x38;
	[tilespmem:$0x10200] =	vst v63  }
0x19: {  	s13 =	sadd.s32 s21, s16;
	s31 =	sshrl.u32 s22, $0x3  }
0x1a: {  	[hbm4b:s13+s2] =	stream.linear.scatter [tilespmem:s10], [sflag:$0x3], $0x4000, $0x38;
	[tilespmem:$0x10200] =	vst v63  }
0x1b: {  	s14 =	sadd.s32 s14, s31  }
0x1c: {  	[tilespmem:s8], [sflag:$0x5] =	stream.linear.gather [hbm4b:s14+s2], $0x80, $0x38;
	[tilespmem:$0x10200] =	vst v63  }
0x1d: {  	_ =	swait.ge [sflag:s4], $0x80  }
0x1e: {  	[sflag:s4] =	ssyncset.done $0x0  }
0x1f: {  	s16 =	simm.s32 $0x180;
	s15 =	sadd.s32 s15, s31;
	[sflag:s4] =	ssyncadd.s32 $0xFFFFFF80  }
0x20: {  	[tilespmem:s16], [sflag:$0x5] =	stream.linear.gather [hbm4b:s15+s2], $0x80, $0x38;
	[tilespmem:$0x10200] =	vst v63  }
0x21: {  	_ =	swait.ge [sflag:s4], $0x80  }
0x22: {  	[sflag:s4] =	ssyncset.done $0x0  }
0x23: {  	s17 =	simm.s32 $0x4200;
	[sflag:s4] =	ssyncadd.s32 $0xFFFFFF80  }
0x24: {  	[tilespmem:s17], [sflag:$0x2] =	stream.indirect.gather [hbm4b:s7+s8], $0x80, s8, s8, $0xb8;
	[tilespmem:$0x10200] =	vst v63  }
0x25: {  	s18 =	simm.s32 $0xC200;
	s19 =	simm.s32 $0x2  }
0x26: {  	[tilespmem:s18], [sflag:$0x2] =	stream.indirect.gather [hbm4b:s7+s8], $0x80, s16, s8, $0xb8;
	[tilespmem:$0x10200] =	vst v63  }
0x27: {  	_ =	swait.ge [sflag:s19], $0x4000  }
0x28: {  	[sflag:s19] =	ssyncset.done $0x0  }
0x29: {  	[sflag:s19] =	ssyncadd.s32 $0xFFFFC000  }
0x2a: {  	_ =	swait.ge [sflag:s19], $0x4000  }
0x2b: {  	s22 =	sshll.u32 s22, $0x4;
	[sflag:s19] =	ssyncset.done $0x0  }
0x2c: {  	s20 =	sadd.s32 s20, s22;
	[sflag:s19] =	ssyncadd.s32 $0xFFFFC000  }
0x2d: {  	[hbm4b:s20+s2] =	stream.linear.scatter [tilespmem:s17], [sflag:$0x4], $0x4000, $0x38;
	[tilespmem:$0x10200] =	vst v63  }
0x2e: {  	s21 =	sadd.s32 s21, s22;
	s22 =	simm.s32 $0x3  }
0x2f: {  	[hbm4b:s21+s2] =	stream.linear.scatter [tilespmem:s18], [sflag:$0x4], $0x4000, $0x38;
	[tilespmem:$0x10200] =	vst v63  }
0x30: {  	_ =	swait.ge [sflag:s22], $0x4000  }
0x31: {  	s24 =	ssub.s32 $0x2, s23;
	[sflag:s22] =	ssyncset.done $0x0  }
0x32: {  	s25 =	sshrl.u32 s24, $0x1;
	[sflag:s22] =	ssyncadd.s32 $0xFFFFC000  }
0x33: {  	s24 =	ssub.s32 s24, s25;
	_ =	swait.ge [sflag:s22], $0x4000  }
0x34: {  	s24 =	smax.u32 s24, $0x1;
	[sflag:s22] =	ssyncset.done $0x0  }
0x35: {  	s23 =	simm.s32 $0x4;
	p0 =	sne.s32 s24, $0x1;
	[sflag:s22] =	ssyncadd.s32 $0xFFFFC000  }
.Ltmp0:
0x36: {  	_ =	swait.ge [sflag:s23], $0x4000;
	(pc) =	sbr.rel @!p0 .LBB2_2-.Ltmp0, $4  }
0x37: {  	[sflag:s23] =	ssyncset.done $0x0  }
0x38: {  	[sflag:s23] =	ssyncadd.s32 $0xFFFFC000  }
0x39: {  	_ =	swait.ge [sflag:s23], $0x4000  }
0x3a: {  	s24 =	sadd.s32 $0xFFFFFFFF, s24;
	[sflag:s23] =	ssyncset.done $0x0  }
.LBB2_1:
0x3b: {  	p0 =	sne.s32 s24, $0x1;
	s24 =	sadd.s32 $0xFFFFFFFF, s24;
	[sflag:s23] =	ssyncadd.s32 $0xFFFFC000  }
0x3c: {  	[tilespmem:s2], [sflag:$0x5] =	stream.linear.gather [hbm4b:s3+s2], $0x80, $0x38;
	[tilespmem:$0x10200] =	vst v63  }
0x3d: {  	_ =	swait.ge [sflag:s4], $0x80  }
0x3e: {  	[sflag:s4] =	ssyncset.done $0x0  }
0x3f: {  	[sflag:s4] =	ssyncadd.s32 $0xFFFFFF80  }
0x40: {  	[tilespmem:s6], [sflag:$0x5] =	stream.linear.gather [hbm4b:s5+s2], $0x80, $0x38;
	[tilespmem:$0x10200] =	vst v63  }
0x41: {  	_ =	swait.ge [sflag:s4], $0x80  }
0x42: {  	[sflag:s4] =	ssyncset.done $0x0  }
0x43: {  	[sflag:s4] =	ssyncadd.s32 $0xFFFFFF80  }
0x44: {  	[tilespmem:s9], [sflag:$0x1] =	stream.indirect.gather [hbm4b:s7+s8], $0x80, s2, s8, $0xb8;
	[tilespmem:$0x10200] =	vst v63  }
0x45: {  	_ = 	snop  }
0x46: {  	[tilespmem:s10], [sflag:$0x1] =	stream.indirect.gather [hbm4b:s7+s8], $0x80, s6, s8, $0xb8;
	[tilespmem:$0x10200] =	vst v63  }
0x47: {  	_ =	swait.ge [sflag:s11], $0x4000  }
0x48: {  	[sflag:s11] =	ssyncset.done $0x0  }
0x49: {  	[sflag:s11] =	ssyncadd.s32 $0xFFFFC000  }
0x4a: {  	_ =	swait.ge [sflag:s11], $0x4000  }
0x4b: {  	[sflag:s11] =	ssyncset.done $0x0  }
0x4c: {  	[sflag:s11] =	ssyncadd.s32 $0xFFFFC000  }
0x4d: {  	[hbm4b:s12+s2] =	stream.linear.scatter [tilespmem:s9], [sflag:$0x3], $0x4000, $0x38;
	[tilespmem:$0x10200] =	vst v63  }
0x4e: {  	_ = 	snop  }
0x4f: {  	[hbm4b:s13+s2] =	stream.linear.scatter [tilespmem:s10], [sflag:$0x3], $0x4000, $0x38;
	[tilespmem:$0x10200] =	vst v63  }
0x50: {  	_ = 	snop  }
0x51: {  	[tilespmem:s8], [sflag:$0x5] =	stream.linear.gather [hbm4b:s14+s2], $0x80, $0x38;
	[tilespmem:$0x10200] =	vst v63  }
0x52: {  	_ =	swait.ge [sflag:s4], $0x80  }
0x53: {  	[sflag:s4] =	ssyncset.done $0x0  }
0x54: {  	[sflag:s4] =	ssyncadd.s32 $0xFFFFFF80  }
0x55: {  	[tilespmem:s16], [sflag:$0x5] =	stream.linear.gather [hbm4b:s15+s2], $0x80, $0x38;
	[tilespmem:$0x10200] =	vst v63  }
0x56: {  	_ =	swait.ge [sflag:s4], $0x80  }
0x57: {  	[sflag:s4] =	ssyncset.done $0x0  }
0x58: {  	[sflag:s4] =	ssyncadd.s32 $0xFFFFFF80  }
0x59: {  	[tilespmem:s17], [sflag:$0x2] =	stream.indirect.gather [hbm4b:s7+s8], $0x80, s8, s8, $0xb8;
	[tilespmem:$0x10200] =	vst v63  }
0x5a: {  	_ = 	snop  }
0x5b: {  	[tilespmem:s18], [sflag:$0x2] =	stream.indirect.gather [hbm4b:s7+s8], $0x80, s16, s8, $0xb8;
	[tilespmem:$0x10200] =	vst v63  }
0x5c: {  	_ =	swait.ge [sflag:s19], $0x4000  }
0x5d: {  	[sflag:s19] =	ssyncset.done $0x0  }
0x5e: {  	[sflag:s19] =	ssyncadd.s32 $0xFFFFC000  }
0x5f: {  	_ =	swait.ge [sflag:s19], $0x4000  }
0x60: {  	[sflag:s19] =	ssyncset.done $0x0  }
0x61: {  	[sflag:s19] =	ssyncadd.s32 $0xFFFFC000  }
0x62: {  	[hbm4b:s20+s2] =	stream.linear.scatter [tilespmem:s17], [sflag:$0x4], $0x4000, $0x38;
	[tilespmem:$0x10200] =	vst v63  }
0x63: {  	_ = 	snop  }
0x64: {  	[hbm4b:s21+s2] =	stream.linear.scatter [tilespmem:s18], [sflag:$0x4], $0x4000, $0x38;
	[tilespmem:$0x10200] =	vst v63  }
0x65: {  	_ =	swait.ge [sflag:s22], $0x4000  }
0x66: {  	[sflag:s22] =	ssyncset.done $0x0  }
0x67: {  	[sflag:s22] =	ssyncadd.s32 $0xFFFFC000  }
0x68: {  	_ =	swait.ge [sflag:s22], $0x4000  }
0x69: {  	[sflag:s22] =	ssyncset.done $0x0  }
0x6a: {  	[sflag:s22] =	ssyncadd.s32 $0xFFFFC000  }
.Ltmp1:
0x6b: {  	_ =	swait.ge [sflag:s23], $0x4000;
	(pc) =	sbr.rel @p0 .LBB2_1-.Ltmp1, $4  }
0x6c: {  	[sflag:s23] =	ssyncset.done $0x0  }
0x6d: {  	[sflag:s23] =	ssyncadd.s32 $0xFFFFC000  }
0x6e: {  	_ =	swait.ge [sflag:s23], $0x4000  }
0x6f: {  	[sflag:s23] =	ssyncset.done $0x0  }
.LBB2_2:
0x70: {  	[sflag:s23] =	ssyncadd.s32 $0xFFFFC000  }
0x71: {  	_ =	sfence.sel $0x180000  }
0x72: {  	[bflag:$0x0] =	sbarrier.arrive $0xFFFF  }
0x73: {  	p0 =	sne.s32 s0, $0x0;
	_ =	strace $0x90000047  }
0x74: {  	s0 =	sadd.s32 @!p0 $0x100000, s1;
	[bflag:$0x2] =	sbarrier.arrive $0xFFFF  }
0x75: {  	[sflag:s0] =	ssyncadd.tile.s32 @!p0 $0x1;
	_ =	shalt  }
.Lfunc_end2:
_tile_overlayer_lowered:
.L_overlay_start_2:
0x76: {  	(tag) =	ssettag $0x2  }
0x77: {  	s0 =	rddreg [dreg:$0x0];
	s2 =	stileid.u32  }
0x78: {  	s1 =	rddreg [dreg:$0x1];
	p0 =	sne.s32 s2, $0x0  }
0x79: {  	s3 =	rddreg [dreg:$0x2];
	[bflag:$0x3] =	sbarrier.arrive $0xFFFF;
	s2 =	simm.s32 @!p0 $0x1C05  }
0x7a: {  	[timem:s3], [sflag:s2] =	dma.local @!p0 [hbm:s0], s1  }
0x7b: {  	s0 =	simm.s32 @!p0 $0x5  }
0x7c: {  	_ =	swait.ge @!p0 [sflag:s0], s1  }
0x7d: {  	s1 =	ssub.s32 @!p0 $0x0, s1;
	[sflag:s0] =	ssyncset.done @!p0 $0x0  }
0x7e: {  	[sflag:s0] =	ssyncadd.s32 @!p0 s1  }
0x7f: {  	[bflag:$0x3] =	sbarrier.arrive $0xFFFF  }
0x80: {  	_ =	shalt  }

</sc_bundles>
